<compile_context>
chip_gen: v7x
topology: tpu7x:2x2x1
jax: 0.10.2.dev20260603
libtpu: 0.0.44.dev20260713+nightly
codegen_flags: <defaults>
</compile_context>

<pallas_src>
import functools

import jax
import jax.numpy as jnp
from jax import lax
from jax.experimental import pallas as pl
from jax.experimental.pallas import tpu as pltpu
from jax.experimental.pallas import tpu_sc as plsc

from jax._src.pallas.mosaic import lowering as _tc_lowering

_ir = _tc_lowering.ir
_tpu = _tc_lowering.tpu


def _reshape_memref_as_reinterpret(ref, reshaper, ref_aval, ref_block_shape):
    ref_ty = _ir.MemRefType(ref.type)
    if len(reshaper.shape) == 1:
        tile, stride = "1", "1"
    elif (
        len(reshaper.shape) == 2
        and reshaper.shape[-1] % 128 == 0
        and reshaper.shape[-2] % 8 == 0
    ):
        tile = "8,128"
        stride = f"{reshaper.shape[-1] // 128},1"
    else:
        tile = ",".join(["1"] * (len(reshaper.shape) - 1) + [str(reshaper.shape[-1])])
        stride = ",".join(["1"] * len(reshaper.shape))
    layout = _ir.Attribute.parse(f"#tpu.tiled<({tile}),[{stride}]>")
    target = _ir.MemRefType.get(
        reshaper.shape, ref_ty.element_type, layout, ref_ty.memory_space
    )
    return _tpu.reinterpret_cast(target, ref), reshaper.shape


_tc_lowering._reshape_memref = _reshape_memref_as_reinterpret

_orig_slice_memref = _tc_lowering._slice_memref


def _slice_memref_keep_layout(ref, indexer, ref_aval, ref_block_shape):
    ref_ty = _ir.MemRefType(ref.type)
    if "#tpu.tiled<(1" not in str(ref_ty):
        return _orig_slice_memref(ref, indexer, ref_aval, ref_block_shape)
    starts, sizes, strides, squeeze_dims, ref_block_shape = (
        _tc_lowering._indexer_to_start_size_stride(
            indexer, ref_block_shape, cast_to_index=False
        )
    )
    assert all((s is None or s == 1) for s in strides)
    assert not any(squeeze_dims)
    static_sizes = []
    dynamic_sizes = []
    for s in sizes:
        if not isinstance(s, _ir.Value):
            static_sizes.append(s)
        elif (v := _tc_lowering._fold_and_get_constant_value(s)) is not None:
            static_sizes.append(v)
        else:
            static_sizes.append(_ir.ShapedType.get_dynamic_size())
            dynamic_sizes.append(s)
    out_ty = _ir.MemRefType.get(
        static_sizes, ref_ty.element_type, ref_ty.layout, ref_ty.memory_space
    )
    return tuple(
        (_tpu.memref_slice(out_ty, ref, starts, dynamic_sizes), ref_block_shape)
    )


_tc_lowering._slice_memref = _slice_memref_keep_layout


def kernel(message, weight):
    (B,) = message.shape
    V, D = weight.shape
    info = plsc.get_sparse_core_info()
    nc, ns, L = info.num_cores, info.num_subcores, info.num_lanes
    nw = nc * ns
    bw = B // nw
    W = bw * D

    t_tiles = (V + 127) // 128
    v_full = (V // 128) * 128
    flat_words = D * V
    s_stride = t_tiles * 1024

    mesh = plsc.VectorSubcoreMesh(core_axis_name="c", subcore_axis_name="s")

    @functools.partial(
        pl.kernel,
        mesh=mesh,
        out_type=jax.ShapeDtypeStruct((D, B), jnp.float32),
        compiler_params=pltpu.CompilerParams(needs_layout_passes=False),
        scratch_types=[
            pltpu.VMEM((bw,), jnp.int32),
            pltpu.VMEM((W,), jnp.int32),
            pltpu.VMEM((256, 128), jnp.float32),
            pltpu.VMEM((8, V - v_full), jnp.float32),
            pltpu.SemaphoreType.DMA,
        ],
    )
    def gather_rows(
        idx_hbm, tab_hbm, out_hbm, bidx_v, addr_v, stage_v, tail_v, sem
    ):
        wid = lax.axis_index("s") * nc + lax.axis_index("c")
        base = wid * bw
        pltpu.sync_copy(idx_hbm.at[pl.ds(base, bw)], bidx_v)

        lanes = lax.iota(jnp.int32, L)
        n_t4 = bw // 128

        @pl.loop(0, bw // L, init_carry=jnp.int32(0), unroll=1)
        def build(q, maxv):
            vec = bidx_v[pl.ds(q * L, L)]
            addr0 = (vec >> 7) * 1024 + (vec & 127)
            qpos = (q >> 3) * 1024 + (q & 7) * L
            for s in range(2):
                for r in range(8):
                    a = addr0 + (s * s_stride + r * 128)
                    if s == 1:
                        a = jnp.where(a >= flat_words, 0, a)
                    addr_v[pl.ds(s * 4096 + r * 128 + qpos, L)] = a
            return jnp.maximum(maxv, jnp.max(vec))

        pltpu.async_copy(
            tab_hbm.reshape(flat_words, 1).at[addr_v],
            stage_v.at[pl.ds(0, 64), :].reshape(W, 1),
            sem,
        ).wait()



        @pl.when(build >= v_full)
        def _tail():
            pltpu.sync_copy(
                tab_hbm.at[pl.ds(8, 8), pl.ds(v_full, V - v_full)], tail_v
            )

            @pl.loop(0, bw // L, unroll=1)
            def patch(q):
                vec = bidx_v[pl.ds(q * L, L)]
                m = vec >= v_full
                col = jnp.where(m, vec - v_full, 0)
                qpos = 4096 + (q >> 3) * 1024 + (q & 7) * L + lanes
                for r in range(8):
                    val = plsc.load_gather(
                        tail_v, [jnp.full((L,), r, jnp.int32), col], mask=m
                    )
                    p = qpos + r * 128
                    plsc.store_scatter(stage_v, [p >> 7, p & 127], val, mask=m)

        pltpu.sync_copy(
            stage_v.at[pl.ds(0, 64), :].reshape(D, bw),
            out_hbm.at[:, pl.ds(base, bw)],
        )

    return gather_rows(message.astype(jnp.int32), weight.T).T

# --- scband reference (transcript-rebuilt; emitter-appended) ---
"""Pipeline reference for scband-symbol-receiver-wrapper-24730421690696 (READ-ONLY COPY).

The authoritative reference and input builder live on the scoring server;
editing this copy changes nothing except your own understanding.
"""

import jax, jax.numpy as jnp
import numpy as np

VOCAB = 1000000
EMBED_DIM = 16
BATCH = 16384

def setup_inputs(seed: int = 0) -> dict:
    key = jax.random.key(seed)
    k_msg, k_tab = jax.random.split(key)
    message = jax.random.randint(k_msg, (BATCH,), 0, VOCAB, dtype=jnp.int64 if jax.config.jax_enable_x64 else jnp.int32)
    # nn.Embedding default init: N(0, 1)
    weight = jax.random.normal(k_tab, (VOCAB, EMBED_DIM), dtype=jnp.float32)
    return {"message": message, "weight": weight}

def reference(message, weight):
    # RelaxedEmbedding with integer (Long) input -> plain embedding gather
    embedded_message = jnp.take(weight, message, axis=0)
    # agent is identity passthrough (wrapper just embeds then calls agent)
    return embedded_message

if __name__ == "__main__":
    import jax
    _d = setup_inputs()
    print(jax.jit(kernel)(*tuple(_d.values())))

</pallas_src>

<mosaic_0001>
#map = affine_map<(d0, d1) -> (0)>
#map1 = affine_map<(d0, d1) -> (0, 0)>
module attributes {stable_mosaic.version = 14 : i64} {
  func.func @gather_rows(%arg0: i32, %arg1: i32, %arg2: memref<16384xi32, #tpu.memory_space<hbm>>, %arg3: memref<16x1000000xf32, #tpu.memory_space<hbm>>, %arg4: memref<16x16384xf32, #tpu.memory_space<hbm>>, %arg5: memref<512xi32, #tpu.memory_space<vmem>>, %arg6: memref<8192xi32, #tpu.memory_space<vmem>>, %arg7: memref<256x128xf32, #tpu.memory_space<vmem>>, %arg8: memref<8x64xf32, #tpu.memory_space<vmem>>, %arg9: memref<!tpu.dma_semaphore, #tpu.memory_space<semaphore_mem>>) attributes {dimension_semantics = [#tpu.dimension_semantics<core_parallel>, #tpu.dimension_semantics<subcore_parallel>], iteration_bounds = array<i64: 2, 16>, scalar_prefetch = 0 : i64, scratch_operands = 5 : i64, tpu.core_type = #tpu.core_type<sc_vector_subcore>, window_params = [{transform_indices = #map}, {transform_indices = #map1}, {transform_indices = #map1}]} {
    %mul3A = arith.constant 2 : i32
    %mul3A_0 = arith.muli %arg1, %mul3A : i32
    %add3A = arith.addi %mul3A_0, %arg0 : i32
    %mul3A_1 = arith.constant 512 : i32
    %mul3A_2 = arith.muli %add3A, %mul3A_1 : i32
    "tpu.region"() ({
      %run_scoped3A = tpu.sem_alloc : memref<!tpu.dma_semaphore, #tpu.memory_space<semaphore_mem>>
      %dma_start3A_25 = tpu.memref_slice %arg2[%mul3A_2] : memref<16384xi32, #tpu.memory_space<hbm>> -> memref<512xi32, #tpu.memory_space<hbm>>
      %dma_start3A_26 = tpu.memref_slice %arg2[%mul3A_2] : memref<16384xi32, #tpu.memory_space<hbm>> -> memref<512xi32, #tpu.memory_space<hbm>>
      tpu.enqueue_dma source(%dma_start3A_26 : memref<512xi32, #tpu.memory_space<hbm>>) target(%arg5 : memref<512xi32, #tpu.memory_space<vmem>>) target_semaphore(%run_scoped3A : memref<!tpu.dma_semaphore, #tpu.memory_space<semaphore_mem>>)
      %dma_wait3A_27 = tpu.memref_slice %arg2[%mul3A_2] : memref<16384xi32, #tpu.memory_space<hbm>> -> memref<512xi32, #tpu.memory_space<hbm>>
      %dma_wait3A_28 = tpu.memref_slice %arg2[%mul3A_2] : memref<16384xi32, #tpu.memory_space<hbm>> -> memref<512xi32, #tpu.memory_space<hbm>>
      tpu.wait_dma2 semaphore(%run_scoped3A : memref<!tpu.dma_semaphore, #tpu.memory_space<semaphore_mem>>) src(%dma_wait3A_28 : memref<512xi32, #tpu.memory_space<hbm>>) dst(%arg5 : memref<512xi32, #tpu.memory_space<vmem>>)
      tpu.yield
    }) : () -> ()
    %iota3A = tpu.iota {dimensions = array<i32: 0>} : vector<16xi32>
    %scan3A = arith.constant 0 : i32
    %scan3A_3 = arith.constant 0 : i32
    %scan3A_4 = arith.constant 32 : i32
    %scan3A_5 = arith.addi %scan3A_3, %scan3A_4 : i32
    %scan3A_6 = arith.constant 1 : i32
    %scan3A_7 = scf.for %scan3A_25 = %scan3A_3 to %scan3A_5 step %scan3A_6 iter_args(%scan3A_26 = %scan3A) -> (i32)  : i32 {
      %mul3A_27 = arith.constant 1 : i32
      %mul3A_28 = arith.muli %scan3A_25, %mul3A_27 : i32
      %add3A_29 = arith.constant 0 : i32
      %add3A_30 = arith.addi %add3A_29, %mul3A_28 : i32
      %mul3A_31 = arith.constant 16 : i32
      %mul3A_32 = arith.muli %add3A_30, %mul3A_31 : i32
      %get3A = arith.index_cast %mul3A_32 : i32 to index
      %get3A_33 = tpu.vector_load %arg5[%get3A] {strides = array<i32>} : memref<512xi32, #tpu.memory_space<vmem>>, vector<16xi32>,
      %shift_right_arithmetic3A = arith.constant 7 : i32
      %shift_right_arithmetic3A_34 = vector.broadcast %shift_right_arithmetic3A : i32 to vector<16xi32>
      %shift_right_arithmetic3A_35 = arith.shrsi %get3A_33, %shift_right_arithmetic3A_34 : vector<16xi32>
      %mul3A_36 = arith.constant 1024 : i32
      %mul3A_37 = vector.broadcast %mul3A_36 : i32 to vector<16xi32>
      %mul3A_38 = arith.muli %shift_right_arithmetic3A_35, %mul3A_37 : vector<16xi32>
      %and3A = arith.constant 127 : i32
      %and3A_39 = vector.broadcast %and3A : i32 to vector<16xi32>
      %and3A_40 = arith.andi %get3A_33, %and3A_39 : vector<16xi32>
      %add3A_41 = arith.addi %mul3A_38, %and3A_40 : vector<16xi32>
      %shift_right_arithmetic3A_42 = arith.constant 3 : i32
      %shift_right_arithmetic3A_43 = arith.shrsi %add3A_30, %shift_right_arithmetic3A_42 : i32
      %mul3A_44 = arith.constant 1024 : i32
      %mul3A_45 = arith.muli %shift_right_arithmetic3A_43, %mul3A_44 : i32
      %and3A_46 = arith.constant 7 : i32
      %and3A_47 = arith.andi %add3A_30, %and3A_46 : i32
      %mul3A_48 = arith.constant 16 : i32
      %mul3A_49 = arith.muli %and3A_47, %mul3A_48 : i32
      %add3A_50 = arith.addi %mul3A_45, %mul3A_49 : i32
      %add3A_51 = arith.constant 0 : i32
      %add3A_52 = vector.broadcast %add3A_51 : i32 to vector<16xi32>
      %add3A_53 = arith.addi %add3A_41, %add3A_52 : vector<16xi32>
      %add3A_54 = arith.constant 0 : i32
      %add3A_55 = arith.addi %add3A_54, %add3A_50 : i32
      %swap3A = arith.index_cast %add3A_55 : i32 to index
      %swap3A_56 = tpu.vector_load %arg6[%swap3A] {strides = array<i32>} : memref<8192xi32, #tpu.memory_space<vmem>>, vector<16xi32>,
      tpu.vector_store %arg6[%swap3A], %add3A_53 {strides = array<i32>} : memref<8192xi32, #tpu.memory_space<vmem>>, vector<16xi32>,
      %add3A_57 = arith.constant 128 : i32
      %add3A_58 = vector.broadcast %add3A_57 : i32 to vector<16xi32>
      %add3A_59 = arith.addi %add3A_41, %add3A_58 : vector<16xi32>
      %add3A_60 = arith.constant 128 : i32
      %add3A_61 = arith.addi %add3A_60, %add3A_50 : i32
      %swap3A_62 = arith.index_cast %add3A_61 : i32 to index
      %swap3A_63 = tpu.vector_load %arg6[%swap3A_62] {strides = array<i32>} : memref<8192xi32, #tpu.memory_space<vmem>>, vector<16xi32>,
      tpu.vector_store %arg6[%swap3A_62], %add3A_59 {strides = array<i32>} : memref<8192xi32, #tpu.memory_space<vmem>>, vector<16xi32>,
      %add3A_64 = arith.constant 256 : i32
      %add3A_65 = vector.broadcast %add3A_64 : i32 to vector<16xi32>
      %add3A_66 = arith.addi %add3A_41, %add3A_65 : vector<16xi32>
      %add3A_67 = arith.constant 256 : i32
      %add3A_68 = arith.addi %add3A_67, %add3A_50 : i32
      %swap3A_69 = arith.index_cast %add3A_68 : i32 to index
      %swap3A_70 = tpu.vector_load %arg6[%swap3A_69] {strides = array<i32>} : memref<8192xi32, #tpu.memory_space<vmem>>, vector<16xi32>,
      tpu.vector_store %arg6[%swap3A_69], %add3A_66 {strides = array<i32>} : memref<8192xi32, #tpu.memory_space<vmem>>, vector<16xi32>,
      %add3A_71 = arith.constant 384 : i32
      %add3A_72 = vector.broadcast %add3A_71 : i32 to vector<16xi32>
      %add3A_73 = arith.addi %add3A_41, %add3A_72 : vector<16xi32>
      %add3A_74 = arith.constant 384 : i32
      %add3A_75 = arith.addi %add3A_74, %add3A_50 : i32
      %swap3A_76 = arith.index_cast %add3A_75 : i32 to index
      %swap3A_77 = tpu.vector_load %arg6[%swap3A_76] {strides = array<i32>} : memref<8192xi32, #tpu.memory_space<vmem>>, vector<16xi32>,
      tpu.vector_store %arg6[%swap3A_76], %add3A_73 {strides = array<i32>} : memref<8192xi32, #tpu.memory_space<vmem>>, vector<16xi32>,
      %add3A_78 = arith.constant 512 : i32
      %add3A_79 = vector.broadcast %add3A_78 : i32 to vector<16xi32>
      %add3A_80 = arith.addi %add3A_41, %add3A_79 : vector<16xi32>
      %add3A_81 = arith.constant 512 : i32
      %add3A_82 = arith.addi %add3A_81, %add3A_50 : i32
      %swap3A_83 = arith.index_cast %add3A_82 : i32 to index
      %swap3A_84 = tpu.vector_load %arg6[%swap3A_83] {strides = array<i32>} : memref<8192xi32, #tpu.memory_space<vmem>>, vector<16xi32>,
      tpu.vector_store %arg6[%swap3A_83], %add3A_80 {strides = array<i32>} : memref<8192xi32, #tpu.memory_space<vmem>>, vector<16xi32>,
      %add3A_85 = arith.constant 640 : i32
      %add3A_86 = vector.broadcast %add3A_85 : i32 to vector<16xi32>
      %add3A_87 = arith.addi %add3A_41, %add3A_86 : vector<16xi32>
      %add3A_88 = arith.constant 640 : i32
      %add3A_89 = arith.addi %add3A_88, %add3A_50 : i32
      %swap3A_90 = arith.index_cast %add3A_89 : i32 to index
      %swap3A_91 = tpu.vector_load %arg6[%swap3A_90] {strides = array<i32>} : memref<8192xi32, #tpu.memory_space<vmem>>, vector<16xi32>,
      tpu.vector_store %arg6[%swap3A_90], %add3A_87 {strides = array<i32>} : memref<8192xi32, #tpu.memory_space<vmem>>, vector<16xi32>,
      %add3A_92 = arith.constant 768 : i32
      %add3A_93 = vector.broadcast %add3A_92 : i32 to vector<16xi32>
      %add3A_94 = arith.addi %add3A_41, %add3A_93 : vector<16xi32>
      %add3A_95 = arith.constant 768 : i32
      %add3A_96 = arith.addi %add3A_95, %add3A_50 : i32
      %swap3A_97 = arith.index_cast %add3A_96 : i32 to index
      %swap3A_98 = tpu.vector_load %arg6[%swap3A_97] {strides = array<i32>} : memref<8192xi32, #tpu.memory_space<vmem>>, vector<16xi32>,
      tpu.vector_store %arg6[%swap3A_97], %add3A_94 {strides = array<i32>} : memref<8192xi32, #tpu.memory_space<vmem>>, vector<16xi32>,
      %add3A_99 = arith.constant 896 : i32
      %add3A_100 = vector.broadcast %add3A_99 : i32 to vector<16xi32>
      %add3A_101 = arith.addi %add3A_41, %add3A_100 : vector<16xi32>
      %add3A_102 = arith.constant 896 : i32
      %add3A_103 = arith.addi %add3A_102, %add3A_50 : i32
      %swap3A_104 = arith.index_cast %add3A_103 : i32 to index
      %swap3A_105 = tpu.vector_load %arg6[%swap3A_104] {strides = array<i32>} : memref<8192xi32, #tpu.memory_space<vmem>>, vector<16xi32>,
      tpu.vector_store %arg6[%swap3A_104], %add3A_101 {strides = array<i32>} : memref<8192xi32, #tpu.memory_space<vmem>>, vector<16xi32>,
      %add3A_106 = arith.constant 8000512 : i32
      %add3A_107 = vector.broadcast %add3A_106 : i32 to vector<16xi32>
      %add3A_108 = arith.addi %add3A_41, %add3A_107 : vector<16xi32>
      %ge3A_109 = arith.constant 16000000 : i32
      %ge3A_110 = vector.broadcast %ge3A_109 : i32 to vector<16xi32>
      %ge3A_111 = arith.cmpi sge, %add3A_108, %ge3A_110 : vector<16xi32>
      %jit3A = arith.constant 0 : i32
      %broadcast_in_dim3A = vector.broadcast %jit3A : i32 to vector<16xi32>
      %select_n3A = arith.select %ge3A_111, %broadcast_in_dim3A, %add3A_108 : vector<16xi1>, vector<16xi32>
      %add3A_112 = arith.constant 4096 : i32
      %add3A_113 = arith.addi %add3A_112, %add3A_50 : i32
      %swap3A_114 = arith.index_cast %add3A_113 : i32 to index
      %swap3A_115 = tpu.vector_load %arg6[%swap3A_114] {strides = array<i32>} : memref<8192xi32, #tpu.memory_space<vmem>>, vector<16xi32>,
      tpu.vector_store %arg6[%swap3A_114], %select_n3A {strides = array<i32>} : memref<8192xi32, #tpu.memory_space<vmem>>, vector<16xi32>,
      %add3A_116 = arith.constant 8000640 : i32
      %add3A_117 = vector.broadcast %add3A_116 : i32 to vector<16xi32>
      %add3A_118 = arith.addi %add3A_41, %add3A_117 : vector<16xi32>
      %ge3A_119 = arith.constant 16000000 : i32
      %ge3A_120 = vector.broadcast %ge3A_119 : i32 to vector<16xi32>
      %ge3A_121 = arith.cmpi sge, %add3A_118, %ge3A_120 : vector<16xi32>
      %jit3A_122 = arith.constant 0 : i32
      %broadcast_in_dim3A_123 = vector.broadcast %jit3A_122 : i32 to vector<16xi32>
      %select_n3A_124 = arith.select %ge3A_121, %broadcast_in_dim3A_123, %add3A_118 : vector<16xi1>, vector<16xi32>
      %add3A_125 = arith.constant 4224 : i32
      %add3A_126 = arith.addi %add3A_125, %add3A_50 : i32
      %swap3A_127 = arith.index_cast %add3A_126 : i32 to index
      %swap3A_128 = tpu.vector_load %arg6[%swap3A_127] {strides = array<i32>} : memref<8192xi32, #tpu.memory_space<vmem>>, vector<16xi32>,
      tpu.vector_store %arg6[%swap3A_127], %select_n3A_124 {strides = array<i32>} : memref<8192xi32, #tpu.memory_space<vmem>>, vector<16xi32>,
      %add3A_129 = arith.constant 8000768 : i32
      %add3A_130 = vector.broadcast %add3A_129 : i32 to vector<16xi32>
      %add3A_131 = arith.addi %add3A_41, %add3A_130 : vector<16xi32>
      %ge3A_132 = arith.constant 16000000 : i32
      %ge3A_133 = vector.broadcast %ge3A_132 : i32 to vector<16xi32>
      %ge3A_134 = arith.cmpi sge, %add3A_131, %ge3A_133 : vector<16xi32>
      %jit3A_135 = arith.constant 0 : i32
      %broadcast_in_dim3A_136 = vector.broadcast %jit3A_135 : i32 to vector<16xi32>
      %select_n3A_137 = arith.select %ge3A_134, %broadcast_in_dim3A_136, %add3A_131 : vector<16xi1>, vector<16xi32>
      %add3A_138 = arith.constant 4352 : i32
      %add3A_139 = arith.addi %add3A_138, %add3A_50 : i32
      %swap3A_140 = arith.index_cast %add3A_139 : i32 to index
      %swap3A_141 = tpu.vector_load %arg6[%swap3A_140] {strides = array<i32>} : memref<8192xi32, #tpu.memory_space<vmem>>, vector<16xi32>,
      tpu.vector_store %arg6[%swap3A_140], %select_n3A_137 {strides = array<i32>} : memref<8192xi32, #tpu.memory_space<vmem>>, vector<16xi32>,
      %add3A_142 = arith.constant 8000896 : i32
      %add3A_143 = vector.broadcast %add3A_142 : i32 to vector<16xi32>
      %add3A_144 = arith.addi %add3A_41, %add3A_143 : vector<16xi32>
      %ge3A_145 = arith.constant 16000000 : i32
      %ge3A_146 = vector.broadcast %ge3A_145 : i32 to vector<16xi32>
      %ge3A_147 = arith.cmpi sge, %add3A_144, %ge3A_146 : vector<16xi32>
      %jit3A_148 = arith.constant 0 : i32
      %broadcast_in_dim3A_149 = vector.broadcast %jit3A_148 : i32 to vector<16xi32>
      %select_n3A_150 = arith.select %ge3A_147, %broadcast_in_dim3A_149, %add3A_144 : vector<16xi1>, vector<16xi32>
      %add3A_151 = arith.constant 4480 : i32
      %add3A_152 = arith.addi %add3A_151, %add3A_50 : i32
      %swap3A_153 = arith.index_cast %add3A_152 : i32 to index
      %swap3A_154 = tpu.vector_load %arg6[%swap3A_153] {strides = array<i32>} : memref<8192xi32, #tpu.memory_space<vmem>>, vector<16xi32>,
      tpu.vector_store %arg6[%swap3A_153], %select_n3A_150 {strides = array<i32>} : memref<8192xi32, #tpu.memory_space<vmem>>, vector<16xi32>,
      %add3A_155 = arith.constant 8001024 : i32
      %add3A_156 = vector.broadcast %add3A_155 : i32 to vector<16xi32>
      %add3A_157 = arith.addi %add3A_41, %add3A_156 : vector<16xi32>
      %ge3A_158 = arith.constant 16000000 : i32
      %ge3A_159 = vector.broadcast %ge3A_158 : i32 to vector<16xi32>
      %ge3A_160 = arith.cmpi sge, %add3A_157, %ge3A_159 : vector<16xi32>
      %jit3A_161 = arith.constant 0 : i32
      %broadcast_in_dim3A_162 = vector.broadcast %jit3A_161 : i32 to vector<16xi32>
      %select_n3A_163 = arith.select %ge3A_160, %broadcast_in_dim3A_162, %add3A_157 : vector<16xi1>, vector<16xi32>
      %add3A_164 = arith.constant 4608 : i32
      %add3A_165 = arith.addi %add3A_164, %add3A_50 : i32
      %swap3A_166 = arith.index_cast %add3A_165 : i32 to index
      %swap3A_167 = tpu.vector_load %arg6[%swap3A_166] {strides = array<i32>} : memref<8192xi32, #tpu.memory_space<vmem>>, vector<16xi32>,
      tpu.vector_store %arg6[%swap3A_166], %select_n3A_163 {strides = array<i32>} : memref<8192xi32, #tpu.memory_space<vmem>>, vector<16xi32>,
      %add3A_168 = arith.constant 8001152 : i32
      %add3A_169 = vector.broadcast %add3A_168 : i32 to vector<16xi32>
      %add3A_170 = arith.addi %add3A_41, %add3A_169 : vector<16xi32>
      %ge3A_171 = arith.constant 16000000 : i32
      %ge3A_172 = vector.broadcast %ge3A_171 : i32 to vector<16xi32>
      %ge3A_173 = arith.cmpi sge, %add3A_170, %ge3A_172 : vector<16xi32>
      %jit3A_174 = arith.constant 0 : i32
      %broadcast_in_dim3A_175 = vector.broadcast %jit3A_174 : i32 to vector<16xi32>
      %select_n3A_176 = arith.select %ge3A_173, %broadcast_in_dim3A_175, %add3A_170 : vector<16xi1>, vector<16xi32>
      %add3A_177 = arith.constant 4736 : i32
      %add3A_178 = arith.addi %add3A_177, %add3A_50 : i32
      %swap3A_179 = arith.index_cast %add3A_178 : i32 to index
      %swap3A_180 = tpu.vector_load %arg6[%swap3A_179] {strides = array<i32>} : memref<8192xi32, #tpu.memory_space<vmem>>, vector<16xi32>,
      tpu.vector_store %arg6[%swap3A_179], %select_n3A_176 {strides = array<i32>} : memref<8192xi32, #tpu.memory_space<vmem>>, vector<16xi32>,
      %add3A_181 = arith.constant 8001280 : i32
      %add3A_182 = vector.broadcast %add3A_181 : i32 to vector<16xi32>
      %add3A_183 = arith.addi %add3A_41, %add3A_182 : vector<16xi32>
      %ge3A_184 = arith.constant 16000000 : i32
      %ge3A_185 = vector.broadcast %ge3A_184 : i32 to vector<16xi32>
      %ge3A_186 = arith.cmpi sge, %add3A_183, %ge3A_185 : vector<16xi32>
      %jit3A_187 = arith.constant 0 : i32
      %broadcast_in_dim3A_188 = vector.broadcast %jit3A_187 : i32 to vector<16xi32>
      %select_n3A_189 = arith.select %ge3A_186, %broadcast_in_dim3A_188, %add3A_183 : vector<16xi1>, vector<16xi32>
      %add3A_190 = arith.constant 4864 : i32
      %add3A_191 = arith.addi %add3A_190, %add3A_50 : i32
      %swap3A_192 = arith.index_cast %add3A_191 : i32 to index
      %swap3A_193 = tpu.vector_load %arg6[%swap3A_192] {strides = array<i32>} : memref<8192xi32, #tpu.memory_space<vmem>>, vector<16xi32>,
      tpu.vector_store %arg6[%swap3A_192], %select_n3A_189 {strides = array<i32>} : memref<8192xi32, #tpu.memory_space<vmem>>, vector<16xi32>,
      %add3A_194 = arith.constant 8001408 : i32
      %add3A_195 = vector.broadcast %add3A_194 : i32 to vector<16xi32>
      %add3A_196 = arith.addi %add3A_41, %add3A_195 : vector<16xi32>
      %ge3A_197 = arith.constant 16000000 : i32
      %ge3A_198 = vector.broadcast %ge3A_197 : i32 to vector<16xi32>
      %ge3A_199 = arith.cmpi sge, %add3A_196, %ge3A_198 : vector<16xi32>
      %jit3A_200 = arith.constant 0 : i32
      %broadcast_in_dim3A_201 = vector.broadcast %jit3A_200 : i32 to vector<16xi32>
      %select_n3A_202 = arith.select %ge3A_199, %broadcast_in_dim3A_201, %add3A_196 : vector<16xi1>, vector<16xi32>
      %add3A_203 = arith.constant 4992 : i32
      %add3A_204 = arith.addi %add3A_203, %add3A_50 : i32
      %swap3A_205 = arith.index_cast %add3A_204 : i32 to index
      %swap3A_206 = tpu.vector_load %arg6[%swap3A_205] {strides = array<i32>} : memref<8192xi32, #tpu.memory_space<vmem>>, vector<16xi32>,
      tpu.vector_store %arg6[%swap3A_205], %select_n3A_202 {strides = array<i32>} : memref<8192xi32, #tpu.memory_space<vmem>>, vector<16xi32>,
      %reduce_max3A = arith.constant true
      %reduce_max3A_207 = vector.broadcast %reduce_max3A : i1 to vector<16xi1>
      %reduce_max3A_208 = arith.constant -2147483648 : i32
      %reduce_max3A_209 = vector.broadcast %reduce_max3A_208 : i32 to vector<16xi32>
      %reduce_max3A_210 = arith.xori %get3A_33, %reduce_max3A_209 : vector<16xi32>
      %reduce_max3A_211 = tpu.scan <max>, %reduce_max3A_210 masked %reduce_max3A_207 : vector<16xi32>, vector<16xi1> -> vector<16xi32>
      %reduce_max3A_212 = arith.xori %reduce_max3A_211, %reduce_max3A_209 : vector<16xi32>
      %reduce_max3A_213 = vector.extract %reduce_max3A_212[15] : i32 from vector<16xi32>
      %max3A = arith.maxsi %scan3A_26, %reduce_max3A_213 : i32
      scf.yield %max3A : i32
    }
    %scan3A_8 = arith.constant 32 : i32
    %dma_start3A = arith.constant 0 : i32
    %dma_start3A_9 = arith.constant 0 : i32
    %dma_start3A_10 = tpu.memref_slice %arg7[%dma_start3A, %dma_start3A_9] : memref<256x128xf32, #tpu.memory_space<vmem>> -> memref<64x128xf32, #tpu.memory_space<vmem>>
    %dma_start3A_11 = tpu.reinterpret_cast %dma_start3A_10 : memref<64x128xf32, #tpu.memory_space<vmem>> -> memref<8192x1xf32, #tpu.tiled<(1,1),[1,1]>, #tpu.memory_space<vmem>>
    %dma_start3A_12 = tpu.reinterpret_cast %arg3 : memref<16x1000000xf32, #tpu.memory_space<hbm>> -> memref<16000000x1xf32, #tpu.tiled<(1,1),[1,1]>, #tpu.memory_space<hbm>>
    %dma_start3A_13 = arith.constant 0 : i32
    %dma_start3A_14 = arith.constant 0 : i32
    %dma_start3A_15 = tpu.memref_slice %dma_start3A_12[%dma_start3A_13, %dma_start3A_14] : memref<16000000x1xf32, #tpu.tiled<(1,1),[1,1]>, #tpu.memory_space<hbm>> -> memref<16000000x1xf32, #tpu.tiled<(1,1),[1,1]>, #tpu.memory_space<hbm>>
    tpu.enqueue_indirect_dma source(%dma_start3A_15 : memref<16000000x1xf32, #tpu.tiled<(1,1),[1,1]>, #tpu.memory_space<hbm>>) target(%dma_start3A_11 : memref<8192x1xf32, #tpu.tiled<(1,1),[1,1]>, #tpu.memory_space<vmem>>) offsets(%arg6 : memref<8192xi32, #tpu.memory_space<vmem>>) semaphore(%arg9 : memref<!tpu.dma_semaphore, #tpu.memory_space<semaphore_mem>>)
    %dma_wait3A = arith.constant 0 : i32
    %dma_wait3A_16 = arith.constant 0 : i32
    %dma_wait3A_17 = tpu.memref_slice %arg7[%dma_wait3A, %dma_wait3A_16] : memref<256x128xf32, #tpu.memory_space<vmem>> -> memref<64x128xf32, #tpu.memory_space<vmem>>
    %dma_wait3A_18 = tpu.reinterpret_cast %dma_wait3A_17 : memref<64x128xf32, #tpu.memory_space<vmem>> -> memref<8192x1xf32, #tpu.tiled<(1,1),[1,1]>, #tpu.memory_space<vmem>>
    %dma_wait3A_19 = tpu.reinterpret_cast %arg3 : memref<16x1000000xf32, #tpu.memory_space<hbm>> -> memref<16000000x1xf32, #tpu.tiled<(1,1),[1,1]>, #tpu.memory_space<hbm>>
    %dma_wait3A_20 = arith.constant 0 : i32
    %dma_wait3A_21 = arith.constant 0 : i32
    %dma_wait3A_22 = tpu.memref_slice %dma_wait3A_19[%dma_wait3A_20, %dma_wait3A_21] : memref<16000000x1xf32, #tpu.tiled<(1,1),[1,1]>, #tpu.memory_space<hbm>> -> memref<16000000x1xf32, #tpu.tiled<(1,1),[1,1]>, #tpu.memory_space<hbm>>
    tpu.wait_indirect_dma semaphore(%arg9 : memref<!tpu.dma_semaphore, #tpu.memory_space<semaphore_mem>>) src(%dma_wait3A_22 : memref<16000000x1xf32, #tpu.tiled<(1,1),[1,1]>, #tpu.memory_space<hbm>>) dst(%dma_wait3A_18 : memref<8192x1xf32, #tpu.tiled<(1,1),[1,1]>, #tpu.memory_space<vmem>>)
    %ge3A = arith.constant 999936 : i32
    %ge3A_23 = arith.cmpi sge, %scan3A_7, %ge3A : i32
    %convert_element_type3A = arith.extui %ge3A_23 : i1 to i32
    %cond3A = arith.constant 0 : i32
    %cond3A_24 = arith.cmpi ne, %convert_element_type3A, %cond3A : i32
    scf.if %cond3A_24 {
      "tpu.region"() ({
        %run_scoped3A = tpu.sem_alloc : memref<!tpu.dma_semaphore, #tpu.memory_space<semaphore_mem>>
        %dma_start3A_30 = arith.constant 8 : i32
        %dma_start3A_31 = arith.constant 999936 : i32
        %dma_start3A_32 = tpu.memref_slice %arg3[%dma_start3A_30, %dma_start3A_31] : memref<16x1000000xf32, #tpu.memory_space<hbm>> -> memref<8x64xf32, #tpu.memory_space<hbm>>
        %dma_start3A_33 = arith.constant 8 : i32
        %dma_start3A_34 = arith.constant 999936 : i32
        %dma_start3A_35 = tpu.memref_slice %arg3[%dma_start3A_33, %dma_start3A_34] : memref<16x1000000xf32, #tpu.memory_space<hbm>> -> memref<8x64xf32, #tpu.memory_space<hbm>>
        tpu.enqueue_dma source(%dma_start3A_35 : memref<8x64xf32, #tpu.memory_space<hbm>>) target(%arg8 : memref<8x64xf32, #tpu.memory_space<vmem>>) target_semaphore(%run_scoped3A : memref<!tpu.dma_semaphore, #tpu.memory_space<semaphore_mem>>)
        %dma_wait3A_36 = arith.constant 8 : i32
        %dma_wait3A_37 = arith.constant 999936 : i32
        %dma_wait3A_38 = tpu.memref_slice %arg3[%dma_wait3A_36, %dma_wait3A_37] : memref<16x1000000xf32, #tpu.memory_space<hbm>> -> memref<8x64xf32, #tpu.memory_space<hbm>>
        %dma_wait3A_39 = arith.constant 8 : i32
        %dma_wait3A_40 = arith.constant 999936 : i32
        %dma_wait3A_41 = tpu.memref_slice %arg3[%dma_wait3A_39, %dma_wait3A_40] : memref<16x1000000xf32, #tpu.memory_space<hbm>> -> memref<8x64xf32, #tpu.memory_space<hbm>>
        tpu.wait_dma2 semaphore(%run_scoped3A : memref<!tpu.dma_semaphore, #tpu.memory_space<semaphore_mem>>) src(%dma_wait3A_41 : memref<8x64xf32, #tpu.memory_space<hbm>>) dst(%arg8 : memref<8x64xf32, #tpu.memory_space<vmem>>)
        tpu.yield
      }) : () -> ()
      %scan3A_25 = arith.constant 0 : i32
      %scan3A_26 = arith.constant 32 : i32
      %scan3A_27 = arith.addi %scan3A_25, %scan3A_26 : i32
      %scan3A_28 = arith.constant 1 : i32
      scf.for %scan3A_30 = %scan3A_25 to %scan3A_27 step %scan3A_28  : i32 {
        %mul3A_31 = arith.constant 1 : i32
        %mul3A_32 = arith.muli %scan3A_30, %mul3A_31 : i32
        %add3A_33 = arith.constant 0 : i32
        %add3A_34 = arith.addi %add3A_33, %mul3A_32 : i32
        %mul3A_35 = arith.constant 16 : i32
        %mul3A_36 = arith.muli %add3A_34, %mul3A_35 : i32
        %get3A = arith.index_cast %mul3A_36 : i32 to index
        %get3A_37 = tpu.vector_load %arg5[%get3A] {strides = array<i32>} : memref<512xi32, #tpu.memory_space<vmem>>, vector<16xi32>,
        %ge3A_38 = arith.constant 999936 : i32
        %ge3A_39 = vector.broadcast %ge3A_38 : i32 to vector<16xi32>
        %ge3A_40 = arith.cmpi sge, %get3A_37, %ge3A_39 : vector<16xi32>
        %sub3A = arith.constant 999936 : i32
        %sub3A_41 = vector.broadcast %sub3A : i32 to vector<16xi32>
        %sub3A_42 = arith.subi %get3A_37, %sub3A_41 : vector<16xi32>
        %jit3A = arith.constant 0 : i32
        %broadcast_in_dim3A = vector.broadcast %jit3A : i32 to vector<16xi32>
        %select_n3A = arith.select %ge3A_40, %sub3A_42, %broadcast_in_dim3A : vector<16xi1>, vector<16xi32>
        %shift_right_arithmetic3A = arith.constant 3 : i32
        %shift_right_arithmetic3A_43 = arith.shrsi %add3A_34, %shift_right_arithmetic3A : i32
        %mul3A_44 = arith.constant 1024 : i32
        %mul3A_45 = arith.muli %shift_right_arithmetic3A_43, %mul3A_44 : i32
        %add3A_46 = arith.constant 4096 : i32
        %add3A_47 = arith.addi %add3A_46, %mul3A_45 : i32
        %and3A = arith.constant 7 : i32
        %and3A_48 = arith.andi %add3A_34, %and3A : i32
        %mul3A_49 = arith.constant 16 : i32
        %mul3A_50 = arith.muli %and3A_48, %mul3A_49 : i32
        %add3A_51 = arith.addi %add3A_47, %mul3A_50 : i32
        %add3A_52 = vector.broadcast %add3A_51 : i32 to vector<16xi32>
        %add3A_53 = arith.addi %add3A_52, %iota3A : vector<16xi32>
        %broadcast_in_dim3A_54 = arith.constant 0 : i32
        %broadcast_in_dim3A_55 = vector.broadcast %broadcast_in_dim3A_54 : i32 to vector<16xi32>
        %gather3A = tpu.vector_load_idx %arg8[%broadcast_in_dim3A_55, %select_n3A] masked %ge3A_40 : memref<8x64xf32, #tpu.memory_space<vmem>>[vector<16xi32>, vector<16xi32>], vector<16xf32>, vector<16xi1>
        %add3A_56 = arith.constant 0 : i32
        %add3A_57 = vector.broadcast %add3A_56 : i32 to vector<16xi32>
        %add3A_58 = arith.addi %add3A_53, %add3A_57 : vector<16xi32>
        %shift_right_arithmetic3A_59 = arith.constant 7 : i32
        %shift_right_arithmetic3A_60 = vector.broadcast %shift_right_arithmetic3A_59 : i32 to vector<16xi32>
        %shift_right_arithmetic3A_61 = arith.shrsi %add3A_58, %shift_right_arithmetic3A_60 : vector<16xi32>
        %and3A_62 = arith.constant 127 : i32
        %and3A_63 = vector.broadcast %and3A_62 : i32 to vector<16xi32>
        %and3A_64 = arith.andi %add3A_58, %and3A_63 : vector<16xi32>
        tpu.vector_store_idx %arg7[%shift_right_arithmetic3A_61, %and3A_64], %gather3A masked %ge3A_40 : memref<256x128xf32, #tpu.memory_space<vmem>>[vector<16xi32>, vector<16xi32>], vector<16xf32>, vector<16xi1>
        %broadcast_in_dim3A_65 = arith.constant 1 : i32
        %broadcast_in_dim3A_66 = vector.broadcast %broadcast_in_dim3A_65 : i32 to vector<16xi32>
        %gather3A_67 = tpu.vector_load_idx %arg8[%broadcast_in_dim3A_66, %select_n3A] masked %ge3A_40 : memref<8x64xf32, #tpu.memory_space<vmem>>[vector<16xi32>, vector<16xi32>], vector<16xf32>, vector<16xi1>
        %add3A_68 = arith.constant 128 : i32
        %add3A_69 = vector.broadcast %add3A_68 : i32 to vector<16xi32>
        %add3A_70 = arith.addi %add3A_53, %add3A_69 : vector<16xi32>
        %shift_right_arithmetic3A_71 = arith.constant 7 : i32
        %shift_right_arithmetic3A_72 = vector.broadcast %shift_right_arithmetic3A_71 : i32 to vector<16xi32>
        %shift_right_arithmetic3A_73 = arith.shrsi %add3A_70, %shift_right_arithmetic3A_72 : vector<16xi32>
        %and3A_74 = arith.constant 127 : i32
        %and3A_75 = vector.broadcast %and3A_74 : i32 to vector<16xi32>
        %and3A_76 = arith.andi %add3A_70, %and3A_75 : vector<16xi32>
        tpu.vector_store_idx %arg7[%shift_right_arithmetic3A_73, %and3A_76], %gather3A_67 masked %ge3A_40 : memref<256x128xf32, #tpu.memory_space<vmem>>[vector<16xi32>, vector<16xi32>], vector<16xf32>, vector<16xi1>
        %broadcast_in_dim3A_77 = arith.constant 2 : i32
        %broadcast_in_dim3A_78 = vector.broadcast %broadcast_in_dim3A_77 : i32 to vector<16xi32>
        %gather3A_79 = tpu.vector_load_idx %arg8[%broadcast_in_dim3A_78, %select_n3A] masked %ge3A_40 : memref<8x64xf32, #tpu.memory_space<vmem>>[vector<16xi32>, vector<16xi32>], vector<16xf32>, vector<16xi1>
        %add3A_80 = arith.constant 256 : i32
        %add3A_81 = vector.broadcast %add3A_80 : i32 to vector<16xi32>
        %add3A_82 = arith.addi %add3A_53, %add3A_81 : vector<16xi32>
        %shift_right_arithmetic3A_83 = arith.constant 7 : i32
        %shift_right_arithmetic3A_84 = vector.broadcast %shift_right_arithmetic3A_83 : i32 to vector<16xi32>
        %shift_right_arithmetic3A_85 = arith.shrsi %add3A_82, %shift_right_arithmetic3A_84 : vector<16xi32>
        %and3A_86 = arith.constant 127 : i32
        %and3A_87 = vector.broadcast %and3A_86 : i32 to vector<16xi32>
        %and3A_88 = arith.andi %add3A_82, %and3A_87 : vector<16xi32>
        tpu.vector_store_idx %arg7[%shift_right_arithmetic3A_85, %and3A_88], %gather3A_79 masked %ge3A_40 : memref<256x128xf32, #tpu.memory_space<vmem>>[vector<16xi32>, vector<16xi32>], vector<16xf32>, vector<16xi1>
        %broadcast_in_dim3A_89 = arith.constant 3 : i32
        %broadcast_in_dim3A_90 = vector.broadcast %broadcast_in_dim3A_89 : i32 to vector<16xi32>
        %gather3A_91 = tpu.vector_load_idx %arg8[%broadcast_in_dim3A_90, %select_n3A] masked %ge3A_40 : memref<8x64xf32, #tpu.memory_space<vmem>>[vector<16xi32>, vector<16xi32>], vector<16xf32>, vector<16xi1>
        %add3A_92 = arith.constant 384 : i32
        %add3A_93 = vector.broadcast %add3A_92 : i32 to vector<16xi32>
        %add3A_94 = arith.addi %add3A_53, %add3A_93 : vector<16xi32>
        %shift_right_arithmetic3A_95 = arith.constant 7 : i32
        %shift_right_arithmetic3A_96 = vector.broadcast %shift_right_arithmetic3A_95 : i32 to vector<16xi32>
        %shift_right_arithmetic3A_97 = arith.shrsi %add3A_94, %shift_right_arithmetic3A_96 : vector<16xi32>
        %and3A_98 = arith.constant 127 : i32
        %and3A_99 = vector.broadcast %and3A_98 : i32 to vector<16xi32>
        %and3A_100 = arith.andi %add3A_94, %and3A_99 : vector<16xi32>
        tpu.vector_store_idx %arg7[%shift_right_arithmetic3A_97, %and3A_100], %gather3A_91 masked %ge3A_40 : memref<256x128xf32, #tpu.memory_space<vmem>>[vector<16xi32>, vector<16xi32>], vector<16xf32>, vector<16xi1>
        %broadcast_in_dim3A_101 = arith.constant 4 : i32
        %broadcast_in_dim3A_102 = vector.broadcast %broadcast_in_dim3A_101 : i32 to vector<16xi32>
        %gather3A_103 = tpu.vector_load_idx %arg8[%broadcast_in_dim3A_102, %select_n3A] masked %ge3A_40 : memref<8x64xf32, #tpu.memory_space<vmem>>[vector<16xi32>, vector<16xi32>], vector<16xf32>, vector<16xi1>
        %add3A_104 = arith.constant 512 : i32
        %add3A_105 = vector.broadcast %add3A_104 : i32 to vector<16xi32>
        %add3A_106 = arith.addi %add3A_53, %add3A_105 : vector<16xi32>
        %shift_right_arithmetic3A_107 = arith.constant 7 : i32
        %shift_right_arithmetic3A_108 = vector.broadcast %shift_right_arithmetic3A_107 : i32 to vector<16xi32>
        %shift_right_arithmetic3A_109 = arith.shrsi %add3A_106, %shift_right_arithmetic3A_108 : vector<16xi32>
        %and3A_110 = arith.constant 127 : i32
        %and3A_111 = vector.broadcast %and3A_110 : i32 to vector<16xi32>
        %and3A_112 = arith.andi %add3A_106, %and3A_111 : vector<16xi32>
        tpu.vector_store_idx %arg7[%shift_right_arithmetic3A_109, %and3A_112], %gather3A_103 masked %ge3A_40 : memref<256x128xf32, #tpu.memory_space<vmem>>[vector<16xi32>, vector<16xi32>], vector<16xf32>, vector<16xi1>
        %broadcast_in_dim3A_113 = arith.constant 5 : i32
        %broadcast_in_dim3A_114 = vector.broadcast %broadcast_in_dim3A_113 : i32 to vector<16xi32>
        %gather3A_115 = tpu.vector_load_idx %arg8[%broadcast_in_dim3A_114, %select_n3A] masked %ge3A_40 : memref<8x64xf32, #tpu.memory_space<vmem>>[vector<16xi32>, vector<16xi32>], vector<16xf32>, vector<16xi1>
        %add3A_116 = arith.constant 640 : i32
        %add3A_117 = vector.broadcast %add3A_116 : i32 to vector<16xi32>
        %add3A_118 = arith.addi %add3A_53, %add3A_117 : vector<16xi32>
        %shift_right_arithmetic3A_119 = arith.constant 7 : i32
        %shift_right_arithmetic3A_120 = vector.broadcast %shift_right_arithmetic3A_119 : i32 to vector<16xi32>
        %shift_right_arithmetic3A_121 = arith.shrsi %add3A_118, %shift_right_arithmetic3A_120 : vector<16xi32>
        %and3A_122 = arith.constant 127 : i32
        %and3A_123 = vector.broadcast %and3A_122 : i32 to vector<16xi32>
        %and3A_124 = arith.andi %add3A_118, %and3A_123 : vector<16xi32>
        tpu.vector_store_idx %arg7[%shift_right_arithmetic3A_121, %and3A_124], %gather3A_115 masked %ge3A_40 : memref<256x128xf32, #tpu.memory_space<vmem>>[vector<16xi32>, vector<16xi32>], vector<16xf32>, vector<16xi1>
        %broadcast_in_dim3A_125 = arith.constant 6 : i32
        %broadcast_in_dim3A_126 = vector.broadcast %broadcast_in_dim3A_125 : i32 to vector<16xi32>
        %gather3A_127 = tpu.vector_load_idx %arg8[%broadcast_in_dim3A_126, %select_n3A] masked %ge3A_40 : memref<8x64xf32, #tpu.memory_space<vmem>>[vector<16xi32>, vector<16xi32>], vector<16xf32>, vector<16xi1>
        %add3A_128 = arith.constant 768 : i32
        %add3A_129 = vector.broadcast %add3A_128 : i32 to vector<16xi32>
        %add3A_130 = arith.addi %add3A_53, %add3A_129 : vector<16xi32>
        %shift_right_arithmetic3A_131 = arith.constant 7 : i32
        %shift_right_arithmetic3A_132 = vector.broadcast %shift_right_arithmetic3A_131 : i32 to vector<16xi32>
        %shift_right_arithmetic3A_133 = arith.shrsi %add3A_130, %shift_right_arithmetic3A_132 : vector<16xi32>
        %and3A_134 = arith.constant 127 : i32
        %and3A_135 = vector.broadcast %and3A_134 : i32 to vector<16xi32>
        %and3A_136 = arith.andi %add3A_130, %and3A_135 : vector<16xi32>
        tpu.vector_store_idx %arg7[%shift_right_arithmetic3A_133, %and3A_136], %gather3A_127 masked %ge3A_40 : memref<256x128xf32, #tpu.memory_space<vmem>>[vector<16xi32>, vector<16xi32>], vector<16xf32>, vector<16xi1>
        %broadcast_in_dim3A_137 = arith.constant 7 : i32
        %broadcast_in_dim3A_138 = vector.broadcast %broadcast_in_dim3A_137 : i32 to vector<16xi32>
        %gather3A_139 = tpu.vector_load_idx %arg8[%broadcast_in_dim3A_138, %select_n3A] masked %ge3A_40 : memref<8x64xf32, #tpu.memory_space<vmem>>[vector<16xi32>, vector<16xi32>], vector<16xf32>, vector<16xi1>
        %add3A_140 = arith.constant 896 : i32
        %add3A_141 = vector.broadcast %add3A_140 : i32 to vector<16xi32>
        %add3A_142 = arith.addi %add3A_53, %add3A_141 : vector<16xi32>
        %shift_right_arithmetic3A_143 = arith.constant 7 : i32
        %shift_right_arithmetic3A_144 = vector.broadcast %shift_right_arithmetic3A_143 : i32 to vector<16xi32>
        %shift_right_arithmetic3A_145 = arith.shrsi %add3A_142, %shift_right_arithmetic3A_144 : vector<16xi32>
        %and3A_146 = arith.constant 127 : i32
        %and3A_147 = vector.broadcast %and3A_146 : i32 to vector<16xi32>
        %and3A_148 = arith.andi %add3A_142, %and3A_147 : vector<16xi32>
        tpu.vector_store_idx %arg7[%shift_right_arithmetic3A_145, %and3A_148], %gather3A_139 masked %ge3A_40 : memref<256x128xf32, #tpu.memory_space<vmem>>[vector<16xi32>, vector<16xi32>], vector<16xf32>, vector<16xi1>
      }
      %scan3A_29 = arith.constant 32 : i32
    } else {
    }
    "tpu.region"() ({
      %run_scoped3A = tpu.sem_alloc : memref<!tpu.dma_semaphore, #tpu.memory_space<semaphore_mem>>
      %dma_start3A_25 = arith.constant 0 : i32
      %dma_start3A_26 = arith.constant 0 : i32
      %dma_start3A_27 = tpu.memref_slice %arg7[%dma_start3A_25, %dma_start3A_26] : memref<256x128xf32, #tpu.memory_space<vmem>> -> memref<64x128xf32, #tpu.memory_space<vmem>>
      %dma_start3A_28 = tpu.reinterpret_cast %dma_start3A_27 : memref<64x128xf32, #tpu.memory_space<vmem>> -> memref<16x512xf32, #tpu.tiled<(8,128),[4,1]>, #tpu.memory_space<vmem>>
      %dma_start3A_29 = arith.constant 0 : i32
      %dma_start3A_30 = tpu.memref_slice %arg4[%dma_start3A_29, %mul3A_2] : memref<16x16384xf32, #tpu.memory_space<hbm>> -> memref<16x512xf32, #tpu.memory_space<hbm>>
      %dma_start3A_31 = arith.constant 0 : i32
      %dma_start3A_32 = tpu.memref_slice %arg4[%dma_start3A_31, %mul3A_2] : memref<16x16384xf32, #tpu.memory_space<hbm>> -> memref<16x512xf32, #tpu.memory_space<hbm>>
      %dma_start3A_33 = arith.constant 0 : i32
      %dma_start3A_34 = arith.constant 0 : i32
      %dma_start3A_35 = tpu.memref_slice %arg7[%dma_start3A_33, %dma_start3A_34] : memref<256x128xf32, #tpu.memory_space<vmem>> -> memref<64x128xf32, #tpu.memory_space<vmem>>
      %dma_start3A_36 = tpu.reinterpret_cast %dma_start3A_35 : memref<64x128xf32, #tpu.memory_space<vmem>> -> memref<16x512xf32, #tpu.tiled<(8,128),[4,1]>, #tpu.memory_space<vmem>>
      tpu.enqueue_dma source(%dma_start3A_36 : memref<16x512xf32, #tpu.tiled<(8,128),[4,1]>, #tpu.memory_space<vmem>>) target(%dma_start3A_32 : memref<16x512xf32, #tpu.memory_space<hbm>>) target_semaphore(%run_scoped3A : memref<!tpu.dma_semaphore, #tpu.memory_space<semaphore_mem>>)
      %dma_wait3A_37 = arith.constant 0 : i32
      %dma_wait3A_38 = arith.constant 0 : i32
      %dma_wait3A_39 = tpu.memref_slice %arg7[%dma_wait3A_37, %dma_wait3A_38] : memref<256x128xf32, #tpu.memory_space<vmem>> -> memref<64x128xf32, #tpu.memory_space<vmem>>
      %dma_wait3A_40 = tpu.reinterpret_cast %dma_wait3A_39 : memref<64x128xf32, #tpu.memory_space<vmem>> -> memref<16x512xf32, #tpu.tiled<(8,128),[4,1]>, #tpu.memory_space<vmem>>
      %dma_wait3A_41 = arith.constant 0 : i32
      %dma_wait3A_42 = tpu.memref_slice %arg4[%dma_wait3A_41, %mul3A_2] : memref<16x16384xf32, #tpu.memory_space<hbm>> -> memref<16x512xf32, #tpu.memory_space<hbm>>
      %dma_wait3A_43 = arith.constant 0 : i32
      %dma_wait3A_44 = tpu.memref_slice %arg4[%dma_wait3A_43, %mul3A_2] : memref<16x16384xf32, #tpu.memory_space<hbm>> -> memref<16x512xf32, #tpu.memory_space<hbm>>
      %dma_wait3A_45 = arith.constant 0 : i32
      %dma_wait3A_46 = arith.constant 0 : i32
      %dma_wait3A_47 = tpu.memref_slice %arg7[%dma_wait3A_45, %dma_wait3A_46] : memref<256x128xf32, #tpu.memory_space<vmem>> -> memref<64x128xf32, #tpu.memory_space<vmem>>
      %dma_wait3A_48 = tpu.reinterpret_cast %dma_wait3A_47 : memref<64x128xf32, #tpu.memory_space<vmem>> -> memref<16x512xf32, #tpu.tiled<(8,128),[4,1]>, #tpu.memory_space<vmem>>
      tpu.wait_dma2 semaphore(%run_scoped3A : memref<!tpu.dma_semaphore, #tpu.memory_space<semaphore_mem>>) src(%dma_wait3A_48 : memref<16x512xf32, #tpu.tiled<(8,128),[4,1]>, #tpu.memory_space<vmem>>) dst(%dma_wait3A_44 : memref<16x512xf32, #tpu.memory_space<hbm>>)
      tpu.yield
    }) : () -> ()
    return
  }
}

</mosaic_0001>

<sc_bundles>
// kernel: kernel.3.cloned.1.call-start
scs
__scs_entry_jumppad:
0x0: {  	(pc) =	sbr.rel $0x88, $3  }
0x1: {  	(tag) =	ssettag $0x0;
	lr =	simm.s32 $0x1  }
0x2: {  	[smem:$0x3F9F] =	sst lr;
	_ =	strace $0xD0000000  }
0x3: {  	_ = 	snop  }
0x4: {  	_ = 	snop  }
0x5: {  	_ = 	snop  }
0x6: {  	_ = 	snop  }
0x7: {  	_ = 	snop  }
__scs_overlays_trampoline_lowered:
0x8: {  	[smem:$0x3FAE] =	sst s0  }
0x9: {  	[smem:$0x3FAF] =	sst s1  }
0xa: {  	[smem:$0x3FB0] =	sst s2  }
0xb: {  	[smem:$0x3FB1] =	sst s3  }
0xc: {  	[smem:$0x3FB2] =	sst s4  }
0xd: {  	[smem:$0x3FB3] =	sst s5  }
0xe: {  	[smem:$0x3FB4] =	sst s6  }
0xf: {  	[smem:$0x3FB5] =	sst s7  }
0x10: {  	[smem:$0x3FB6] =	sst s8  }
0x11: {  	[smem:$0x3FB7] =	sst s9;
	s0 =	simm.s32 @!p0 $0x0  }
0x12: {  	s1 =	sld [smem:$0x3F9D];
	s0 =	simm.s32 @p0 $0x1  }
0x13: {  	[smem:$0x3FB8] =	sst s0;
	s0 =	simm.s32 @!p1 $0x0  }
0x14: {  	s2 =	sld [smem:$0x3F9C];
	s0 =	simm.s32 @p1 $0x1  }
0x15: {  	[smem:$0x3FB9] =	sst s0;
	s0 =	simm.s32 @!p2 $0x0  }
0x16: {  	s3 =	sld [smem:$0x3FDB];
	s0 =	simm.s32 @p2 $0x1  }
0x17: {  	s4 =	simm.s32 $0x1BF5;
	[smem:$0x3FBB] =	sst s0  }
0x18: {  	s0 =	sld [smem:$0x3F9E];
	_ =	swait.ge [sflag:s4], $0x0  }
0x19: {  	s7 =	sld [smem:$0x3F9F]  }
0x1a: {  	s8 =	sadd.s32 $0xFFFFE003, lr  }
0x1b: {  	s9 =	sadd.s32 $0xFFFFFEF7, lr;
	s5 =	simm.s32 $0xFFFFFFFF;
	p2 =	slt.u32 s8, $0xFFFFF086  }
0x1c: {  	p1 =	slt.u32 s9, $0xF7A;
	s5 =	simm.s32 @!p2 $0x0  }
0x1d: {  	s5 =	simm.s32 @p1 $0x1;
	p0 =	seq.s32 s7, s2  }
0x1e: {  	s7 =	smul.u32 @!p0 $0xF7A, s2;
	p2 =	seq.s32 @!p0 s5, $0x0  }
0x1f: {  	s9 =	smul.u32 $0xF7A, s1;
	s8 =	simm.s32 @!p0 $0x1BF5;
	p2 =	por !p2, p0  }
0x20: {  	[sflag:s8] =	ssyncset.s32 @!p0 $0xFFFFF086;
	s6 =	sadd.s32 @!p0 s3, s7;
	s7 =	simm.s32 @!p0 $0x108  }
0x21: {  	s3 =	sadd.s32 s3, s9;
	s6 =	sadd.s32 @!p0 $0x88, s6;
	s7 =	simm.s32 @p2 $0x1082  }
0x22: {  	[simem:s7], [sflag:s8] =	dma.local @!p0 [hbm:s6], $0xF7A  }
0x23: {  	s9 =	sor.u32 $0xD0000000, s2;
	s6 =	simm.s32 $0x108;
	_ =	swait.ge @!p0 [sflag:s8], $0x0  }
0x24: {  	s3 =	sadd.s32 $0x88, s3;
	s6 =	simm.s32 @!p1 $0x1082;
	[sflag:s4] =	ssyncset.s32 $0xFFFFF086  }
0x25: {  	[simem:s6], [sflag:s4] =	dma.local [hbm:s3], $0xF7A  }
0x26: {  	[smem:$0x3F9F] =	sst s1;
	(tag) =	ssettag s2;
	_ =	strace s9  }
0x27: {  	s1 =	sld [smem:$0x3FAF]  }
0x28: {  	s2 =	sld [smem:$0x3FB0]  }
0x29: {  	s4 =	sld [smem:$0x3FB2]  }
0x2a: {  	p0 =	seq.s32 s5, $0x0;
	s5 =	sld [smem:$0x3FB3]  }
0x2b: {  	s6 =	sld [smem:$0x3FB4]  }
0x2c: {  	s7 =	sld [smem:$0x3FB5]  }
0x2d: {  	s3 =	simm.s32 $0x108;
	s8 =	sld [smem:$0x3FB6]  }
0x2e: {  	s3 =	simm.s32 @!p0 $0x1082;
	s9 =	sld [smem:$0x3FB7]  }
0x2f: {  	lr =	sadd.s32 s0, s3;
	s0 =	sld [smem:$0x3FAE]  }
0x30: {  	s3 =	sld [smem:$0x3FB1]  }
0x31: {  	[smem:$0x3FBA] =	sst s10  }
0x32: {  	s10 =	sld [smem:$0x3FB8];
	_ =	sdelay $0x3  }
0x33: {  	p0 =	seq.s32 s10, $0x1;
	s10 =	sld [smem:$0x3FBA];
	_ =	sdelay $0x3  }
0x34: {  	[smem:$0x3FBA] =	sst s10  }
0x35: {  	s10 =	sld [smem:$0x3FB9];
	_ =	sdelay $0x3  }
0x36: {  	p1 =	seq.s32 s10, $0x1;
	s10 =	sld [smem:$0x3FBA];
	_ =	sdelay $0x3  }
0x37: {  	[smem:$0x3FBA] =	sst s10  }
0x38: {  	s10 =	sld [smem:$0x3FBB]  }
0x39: {  	_ = 	snop;
	(pc) =	sbr.ind lr, $3  }
0x3a: {  	_ = 	snop  }
0x3b: {  	_ = 	snop  }
0x3c: {  	p2 =	seq.s32 s10, $0x1;
	s10 =	sld [smem:$0x3FBA]  }
0x3d: {  	_ =	shalt  }
0x3e: {  	_ =	shalt  }
0x3f: {  	_ =	shalt  }
0x40: {  	_ =	shalt  }
0x41: {  	_ =	shalt  }
0x42: {  	_ =	shalt  }
0x43: {  	_ =	shalt  }
0x44: {  	_ =	shalt  }
0x45: {  	_ =	shalt  }
0x46: {  	_ =	shalt  }
0x47: {  	_ =	shalt  }
0x48: {  	_ =	shalt  }
0x49: {  	_ =	shalt  }
0x4a: {  	_ =	shalt  }
0x4b: {  	_ =	shalt  }
0x4c: {  	_ =	shalt  }
0x4d: {  	_ =	shalt  }
0x4e: {  	_ =	shalt  }
0x4f: {  	_ =	shalt  }
0x50: {  	_ =	shalt  }
0x51: {  	_ =	shalt  }
0x52: {  	_ =	shalt  }
0x53: {  	_ =	shalt  }
0x54: {  	_ =	shalt  }
0x55: {  	_ =	shalt  }
0x56: {  	_ =	shalt  }
0x57: {  	_ =	shalt  }
0x58: {  	_ =	shalt  }
0x59: {  	_ =	shalt  }
0x5a: {  	_ =	shalt  }
0x5b: {  	_ =	shalt  }
0x5c: {  	_ =	shalt  }
0x5d: {  	_ =	shalt  }
0x5e: {  	_ =	shalt  }
0x5f: {  	_ =	shalt  }
0x60: {  	_ =	shalt  }
0x61: {  	_ =	shalt  }
0x62: {  	_ =	shalt  }
0x63: {  	_ =	shalt  }
0x64: {  	_ =	shalt  }
0x65: {  	_ =	shalt  }
0x66: {  	_ =	shalt  }
0x67: {  	_ =	shalt  }
0x68: {  	_ =	shalt  }
0x69: {  	_ =	shalt  }
0x6a: {  	_ =	shalt  }
0x6b: {  	_ =	shalt  }
0x6c: {  	_ =	shalt  }
0x6d: {  	_ =	shalt  }
0x6e: {  	_ =	shalt  }
0x6f: {  	_ =	shalt  }
0x70: {  	_ =	shalt  }
0x71: {  	_ =	shalt  }
0x72: {  	_ =	shalt  }
0x73: {  	_ =	shalt  }
0x74: {  	_ =	shalt  }
0x75: {  	_ =	shalt  }
0x76: {  	_ =	shalt  }
0x77: {  	_ =	shalt  }
0x78: {  	_ =	shalt  }
0x79: {  	_ =	shalt  }
0x7a: {  	_ =	shalt  }
0x7b: {  	_ =	shalt  }
0x7c: {  	_ =	shalt  }
0x7d: {  	_ =	shalt  }
0x7e: {  	_ =	shalt  }
0x7f: {  	_ =	shalt  }
0x80: {  	_ =	shalt  }
0x81: {  	_ =	shalt  }
0x82: {  	_ =	shalt  }
0x83: {  	_ =	shalt  }
0x84: {  	_ =	shalt  }
0x85: {  	_ =	shalt  }
0x86: {  	_ =	shalt  }
0x87: {  	_ =	shalt  }
.Lfunc_end0:
.L_simem_size_0:
called_computation_lowered:
.L_overlay_start_0:
0x88: {  	s2 =	sld [smem:$0x3FD9]  }
0x89: {  	s3 =	sld [smem:$0x3FFE];
	_ =	sdelay $0x1  }
0x8a: {  	s1 =	srdreg.scid  }
0x8b: {  	s0 =	sand.u32 $0x1, s1  }
0x8c: {  	s18 =	sshll.u32 s0, $0xA;
	s2 =	sadd.s32 s3, s2  }
0x8d: {  	s2 =	sadd.s32 s2, s18  }
0x8e: {  	[smem:$0x3FC6] =	sst s2  }
0x8f: {  	_ = 	snop  }
0x90: {  	s2 =	sld [smem:$0x3FC9]  }
0x91: {  	s19 =	sld [smem:$0x3FC8]  }
0x92: {  	s4 =	sld [smem:$0x3FD0];
	(tm) =	ssettm $0x1  }
0x93: {  	s5 =	sld [smem:$0x3FFB];
	_ =	sdelay $0x3  }
0x94: {  	_ =	strace s5  }
0x95: {  	s5 =	sld [smem:$0x3FFC];
	_ =	sdelay $0x3  }
0x96: {  	_ =	strace s5  }
0x97: {  	s5 =	sld [smem:$0x3FFD];
	_ =	sdelay $0x3  }
0x98: {  	_ =	strace s5  }
0x99: {  	_ =	strace $0x8FFFFFFF  }
0x9a: {  	s20 =	sld [smem:$0x3FDB];
	_ =	sdelay $0x1  }
0x9b: {  	s6 =	simm.s32 $_scs_section_size  }
0x9c: {  	s7 =	simm.s32 $_size__tile_overlayer_lowered;
	s8 =	simm.s32 $_tile_overlayer_lowered  }
0x9d: {  	s23 =	simm.s32 $0x1BFF;
	s22 =	sshll.u32 s8, $0x1;
	s5 =	sadd.s32 s6, s20  }
0x9e: {  	s9 =	simm.s32 $0x0;
	s21 =	sshll.u32 s7, $0x1;
	s7 =	sadd.s32 s22, s5  }
0x9f: {  	[timem:s9], [sflag:s23] =	dma.local [hbm:s7], s21  }
0xa0: {  	_ =	swait.ge [sflag:s23], s21  }
0xa1: {  	s6 =	ssub.s32 $0x0, s21;
	[sflag:s23] =	ssyncset.done $0x0  }
0xa2: {  	[sflag:s23] =	ssyncadd.s32 s6;
	_ =	sdelay $0x1  }
0xa3: {  	s24 =	simm.s32 $0x1B8B  }
0xa4: {  	_ =	swait.ge [sflag:s24], $0x1  }
0xa5: {  	[sflag:s24] =	ssyncset.done $0x0  }
0xa6: {  	s25 =	simm.s32 $0x1B8E;
	[sflag:s24] =	ssyncadd.s32 $0xFFFFFFFF  }
0xa7: {  	s26 =	simm.s32 $execute0_lowered;
	[smem:$0x3FD2] =	sst s25  }
0xa8: {  	s6 =	sshll.u32 s26, $0x1;
	_ =	strace $0x80000046;
	[dreg:$0x1] =	wrdreg $0xFFFFFFFF  }
0xa9: {  	s28 =	simm.s32 $_size_execute0_lowered;
	s5 =	sadd.s32 s5, s6;
	[dreg:$0x0] =	wrdreg $0x0  }
0xaa: {  	s6 =	sshll.u32 s28, $0x1;
	[dreg:$0x2] =	wrdreg s5  }
0xab: {  	[dreg:$0x3] =	wrdreg s6  }
0xac: {  	[dreg:$0x4] =	wrdreg $0xC0  }
0xad: {  	_ =	task [dreg:s9], $0x5FFFF  }
0xae: {  	[dreg:$0x1] =	wrdreg $0xFFFFFFFF  }
0xaf: {  	[dreg:$0x0] =	wrdreg $0x60  }
0xb0: {  	[dreg:$0x2] =	wrdreg s2  }
0xb1: {  	[dreg:$0x3] =	wrdreg s19  }
0xb2: {  	[dreg:$0x4] =	wrdreg s4  }
0xb3: {  	[dreg:$0x5] =	wrdreg $0x9  }
0xb4: {  	_ =	task.clear_ibuf [dreg:s9], $0x6FFFF;
	_ =	strace $0x90000046  }
0xb5: {  	s29 =	simm.s32 $0x9;
	_ =	strace $0x80000048  }
0xb6: {  	_ =	swait.ge [sflag:s29], $0x1  }
0xb7: {  	[sflag:s29] =	ssyncadd.s32 $0xFFFFFFFF  }
0xb8: {  	_ =	strace $0x90000048  }
0xb9: {  	_ =	sfence  }
0xba: {  	s30 =	sld [smem:$0x0];
	_ =	sdelay $0x2  }
0xbb: {  	s31 =	sshll.u32 s1, $0xD;
	s1 =	sshrl.u32 s1, $0x2  }
0xbc: {  	s3 =	sand.u32 $0x4000, s31;
	s1 =	sadd.s32 s1, s30  }
0xbd: {  	s0 =	sor.u32 s3, s0;
	s1 =	sshll.u32 s1, $0x11  }
0xbe: {  	s0 =	sor.u32 s1, s0  }
0xbf: {  	s0 =	sadd.s32 $0x8F2B, s0  }
0xc0: {  	[sflag:s0] =	ssyncadd.remote.s32 $0x1  }
0xc1: {  	_ =	sfence.sel $0xFFFF  }
0xc2: {  	[dreg:$0x0] =	wrdreg $0xFFFFFFFF;
	(pc) =	sbr.abs _section_cstart, $3  }
0xc3: {  	[dreg:$0x1] =	wrdreg $0xFFFFFFFF  }
0xc4: {  	_ =	task.clear_ibuf [dreg:s9], $0x2FFFF;
	_ =	strace $0x9FFFFFFF  }
0xc5: {  	(tm) =	ssettm $0x7FFFFFFF  }
tec
execute0_lowered:
.L_overlay_start_1:
0x0: {  	(tag) =	ssettag $0x1  }
0x1: {  	s4 =	rddreg [dreg:$0x0]  }
0x2: {  	s2 =	rddreg [dreg:$0x1]  }
0x3: {  	s0 =	srdreg.scid;
	s6 =	rddreg [dreg:$0x2]  }
0x4: {  	s1 =	stileid.u32;
	s3 =	simm.s32 $0x0;
	s10 =	simm.s32 $0x200  }
0x5: {  	s11 =	simm.s32 $0x2200;
	s12 =	simm.s32 $0x1;
	s13 =	simm.s32 $0xA200  }
0x6: {  	s14 =	simm.s32 $0x1000;
	s15 =	simm.s32 $0x20000;
	s16 =	simm.s32 $0x0  }
0x7: {  	s5 =	sand.u32 $0x1, s0;
	s0 =	rddreg [dreg:$0x3];
	s7 =	sshll.u32 s1, $0xA  }
.Ltmp0:
0x8: {  	s8 =	sshll.u32 s5, $0x9;
	s5 =	ssub.s32 $0x2, s5;
	(pc) =	sbr.rel .LBB2_1-.Ltmp0, $4  }
0x9: {  	v0 =	vlaneseq.u32;
	[smem:$0x7FF] =	sst s3;
	s7 =	sor.u32 s8, s7;
	s31 =	sshrl.u32 s5, $0x1  }
0xa: {  	v1 =	vor.u32 $0x80, v0;
	_ =	strace $0x80000047;
	s9 =	sshrl.u32 s7, $0x3;
	s8 =	ssub.s32 s5, s31  }
0xb: {  	v2 =	vor.u32 $0x100, v0;
	v3 =	vor.u32 $0x180, v0;
	v4 =	vor.u32 $0x200, v0;
	s5 =	sadd.s32 $0x1E8480, s2;
	s6 =	sadd.s32 s6, s7;
	s4 =	sadd.s32 s4, s9  }
0xc: {  	v5 =	vor.u32 $0x280, v0;
	v6 =	vor.u32 $0x300, v0;
	v7 =	vor.u32 $0x380, v0;
	s7 =	smax.u32 s8, $0x1;
	s8 =	simm.s32 $0x2;
	s9 =	simm.s32 $0x2000  }
.LBB2_6:
0xd: {  	_ =	sdelay $0x4  }
0xe: {  	[tilespmem:v9+s11+$0x0] =	vst.idx.msk vm0, v8  }
.LBB2_7:
0xf: {  	s16 =	sadd.s32 $0x1, s16  }
0x10: {  	p0 =	sne.s32 s16, s7  }
.Ltmp1:
0x11: {  	_ = 	snop;
	(pc) =	sbr.rel @!p0 .LBB2_8-.Ltmp1, $4  }
0x12: {  	[hbm4b:s6+s14] =	stream.strided.scatter [tilespmem:s11], [sflag:$0x2], $0x2000, s15, s14, $0x38;
	[tilespmem:$0xA600] =	vst v63  }
0x13: {  	_ =	swait.ge [sflag:s8], $0x2000  }
0x14: {  	[sflag:s8] =	ssyncset.done $0x0  }
0x15: {  	[sflag:s8] =	ssyncadd.s32 $0xFFFFE000  }
.LBB2_1:
0x16: {  	[tilespmem:s3], [sflag:$0x2] =	stream.linear.gather [hbm4b:s4+s3], $0x200, $0x38;
	[tilespmem:$0xA600] =	vst v63  }
0x17: {  	_ =	swait.ge [sflag:s8], $0x200  }
0x18: {  	[sflag:s8] =	ssyncset.done $0x0  }
0x19: {  	[sflag:s8] =	ssyncadd.s32 $0xFFFFFE00  }
0x1a: {  	v8 =	vld [tilespmem:s3+$0x0];
	_ =	sdelay $0x4  }
0x1b: {  	v9 =	vshll.u32 v8, $0x3  }
0x1c: {  	s17 =	sand.u32 $0xC00, s3;
	s18 =	sand.u32 $0x70, s3;
	v10 =	vand.u32 $0x7F, v8;
	v8 =	vxor.u32 $0x80000000, v8;
	v9 =	vand.u32 $0xFFFFFC00, v9  }
0x1d: {  	s19 =	sor.u32 s18, s17;
	(xrf0) =	vmax.scan.msk.u32 $0xffff, v8;
	v10 =	vor.u32 v10, v9  }
0x1e: {  	[tilespmem:s19+$0x200] =	vst v10;
	v8 =	vor.u32 $0x80, v10  }
0x1f: {  	v9 =	vor.u32 $0x100, v10;
	v11 =	vadd.s32 $0x7A1780, v10;
	[tilespmem:s19+$0x280] =	vst v8  }
0x20: {  	v12 =	vor.u32 $0x180, v10;
	v13 =	vor.u32 $0x200, v10;
	v14 =	vadd.s32 $0x7A1400, v10;
	[tilespmem:s19+$0x300] =	vst v9  }
0x21: {  	v15 =	vadd.s32 $0x7A1580, v10;
	v16 =	vadd.s32 $0x7A1480, v10;
	v8 =	vor.u32 $0x280, v10;
	[tilespmem:s19+$0x380] =	vst v12  }
0x22: {  	v9 =	vor.u32 $0x300, v10;
	vm0 =	vgt.s32 v11, $0xF423FF;
	vm1 =	vgt.s32 v14, $0xF423FF;
	[tilespmem:s19+$0x400] =	vst v13  }
0x23: {  	s31 =	sor.u32 s3, s3;
	vm11 =	vgt.s32 v15, $0xF423FF;
	v13 =	vor.u32 $0x380, v10;
	vm15 =	vgt.s32 v16, $0xF423FF;
	[tilespmem:s19+$0x480] =	vst v8;
	v12, _, _ =	vpop (xrf0)  }
0x24: {  	s17 =	sor.u32 $0x380, s31;
	v8 =	vsel vm0, $0x0, v11;
	[tilespmem:s19+$0x500] =	vst v9;
	v11 =	vadd.s32 $0x7A1600, v10;
	(v2sf) =	vpush v12, $0xF  }
0x25: {  	v9 =	vsel vm1, $0x0, v14;
	v14 =	vadd.s32 $0x7A1700, v10;
	vm12 =	vgt.s32 v11, $0xF423FF;
	[tilespmem:s17+$0x200] =	vst v13  }
0x26: {  	v13 =	vadd.s32 $0x7A1680, v10;
	vm13 =	vgt.s32 v14, $0xF423FF;
	[tilespmem:s19+$0x1200] =	vst v9;
	v12 =	vsel vm11, $0x0, v15  }
0x27: {  	s22 =	simm.s32 $0x100;
	s20 =	simm.s32 $0x10;
	vm14 =	vgt.s32 v13, $0xF423FF;
	v9 =	vsel vm13, $0x0, v14;
	v15 =	vsel vm12, $0x0, v11;
	[tilespmem:s19+$0x1380] =	vst v12  }
0x28: {  	s21 =	simm.s32 $0x0;
	s18 =	simm.s32 $0x0;
	s17 =	simm.s32 $0x80;
	v11 =	vadd.s32 $0x7A1500, v10;
	v10 =	vsel vm15, $0x0, v16;
	v12 =	vsel vm14, $0x0, v13;
	[tilespmem:s19+$0x1400] =	vst v15  }
.LBB2_2:
0x29: {  	s24 =	smov.u32 s18;
	p0 =	sne.s32 s22, $0xF80  }
0x2a: {  	s21 =	sadd.s32 $0x10, s21;
	s23 =	smov.u32 s22;
	s22 =	sadd.s32 $0x80, s22;
	[tilespmem:s19+$0x1580] =	vst v8  }
0x2b: {  	vm0 =	vgt.s32 v11, $0xF423FF;
	[tilespmem:s19+$0x1500] =	vst v9  }
0x2c: {  	v8 =	vsel vm0, $0x0, v11;
	[tilespmem:s19+$0x1480] =	vst v12  }
0x2d: {  	[tilespmem:s19+$0x1300] =	vst v8  }
0x2e: {  	[tilespmem:s19+$0x1280] =	vst v10  }
0x2f: {  	v8 =	vld [tilespmem:s20+$0x0];
	_ =	sdelay $0x3  }
0x30: {  	s18 =	spop (v2sf)  }
0x31: {  	v9 =	vshll.u32 v8, $0x3;
	v10 =	vxor.u32 $0x80000000, v8;
	s18 =	sxor.u32 $0x80000000, s18  }
0x32: {  	s25 =	sand.u32 $0x70, s21;
	s19 =	sand.u32 $0xC00, s17;
	v8 =	vand.u32 $0x7F, v8;
	v9 =	vand.u32 $0xFFFFFC00, v9;
	(xrf0) =	vmax.scan.msk.u32 $0xffff, v10;
	p1 =	sgt.s32 s24, s18  }
0x33: {  	s19 =	sor.u32 s25, s19;
	v10 =	vor.u32 v8, v9;
	s18 =	smov.u32 @p1 s24  }
0x34: {  	[tilespmem:s19+$0x200] =	vst v10;
	v8 =	vor.u32 $0x80, v10;
	v9 =	vor.u32 $0x100, v10;
	v11 =	vadd.s32 $0x7A1780, v10  }
0x35: {  	v12 =	vor.u32 $0x180, v10;
	v13 =	vor.u32 $0x200, v10;
	[tilespmem:s19+$0x280] =	vst v8;
	v8 =	vor.u32 $0x280, v10  }
0x36: {  	v14 =	vadd.s32 $0x7A1400, v10;
	vm0 =	vgt.s32 v11, $0xF423FF;
	[tilespmem:s19+$0x300] =	vst v9;
	v9 =	vor.u32 $0x300, v10  }
0x37: {  	s20 =	sadd.s32 $0x10, s20;
	v15 =	vadd.s32 $0x7A1580, v10;
	vm1 =	vgt.s32 v14, $0xF423FF;
	[tilespmem:s19+$0x480] =	vst v8;
	v8 =	vsel vm0, $0x0, v11  }
0x38: {  	v11 =	vadd.s32 $0x7A1600, v10;
	[tilespmem:s19+$0x500] =	vst v9;
	v9 =	vsel vm1, $0x0, v14;
	v14 =	vadd.s32 $0x7A1700, v10;
	v16, _, _ =	vpop (xrf0)  }
0x39: {  	s24 =	sor.u32 s17, s21;
	s17 =	smov.u32 s23;
	vm0 =	vgt.s32 v15, $0xF423FF;
	vm1 =	vgt.s32 v11, $0xF423FF;
	[tilespmem:s19+$0x380] =	vst v12;
	(v2sf) =	vpush v16, $0xF  }
.Ltmp2:
0x3a: {  	s23 =	sor.u32 $0x380, s24;
	v12 =	vor.u32 $0x380, v10;
	[tilespmem:s19+$0x400] =	vst v13;
	v13 =	vsel vm0, $0x0, v15;
	v15 =	vsel vm1, $0x0, v11;
	(pc) =	sbr.rel @p0 .LBB2_2-.Ltmp2, $4  }
0x3b: {  	vm0 =	vgt.s32 v14, $0xF423FF;
	[tilespmem:s23+$0x200] =	vst v12;
	v12 =	vadd.s32 $0x7A1680, v10  }
0x3c: {  	v16 =	vadd.s32 $0x7A1480, v10;
	[tilespmem:s19+$0x1200] =	vst v9;
	vm1 =	vgt.s32 v12, $0xF423FF;
	v9 =	vsel vm0, $0x0, v14  }
0x3d: {  	v11 =	vadd.s32 $0x7A1500, v10;
	vm0 =	vgt.s32 v16, $0xF423FF;
	[tilespmem:s19+$0x1380] =	vst v13;
	v12 =	vsel vm1, $0x0, v12  }
0x3e: {  	v10 =	vsel vm0, $0x0, v16;
	[tilespmem:s19+$0x1400] =	vst v15  }
0x3f: {  	[tilespmem:s19+$0x1580] =	vst v8  }
0x40: {  	[tilespmem:s19+$0x1500] =	vst v9  }
0x41: {  	vm0 =	vgt.s32 v11, $0xF423FF;
	[tilespmem:s19+$0x1480] =	vst v12  }
0x42: {  	[tilespmem:s19+$0x1280] =	vst v10;
	v8 =	vsel vm0, $0x0, v11  }
0x43: {  	[tilespmem:s19+$0x1300] =	vst v8  }
0x44: {  	v8 =	vld [tilespmem:s20+$0x0];
	_ =	sdelay $0x4  }
0x45: {  	v45 =	vxor.u32 $0x80000000, v8  }
0x46: {  	(xrf0) =	vmax.scan.msk.u32 $0xffff, v45;
	_ =	sdelay $0x5  }
0x47: {  	v47, _, _ =	vpop (xrf0)  }
0x48: {  	(v2sf) =	vpush v47, $0xF;
	_ =	sdelay $0x1  }
0x49: {  	s26 =	sadd.s32 $0x10, s21;
	v46 =	vshll.u32 v8, $0x3  }
0x4a: {  	s28 =	sand.u32 $0xC00, s17;
	s21 =	sand.u32 $0x70, s26;
	v8 =	vand.u32 $0x7F, v8;
	v9 =	vand.u32 $0xFFFFFC00, v46  }
0x4b: {  	s20 =	sor.u32 s21, s28;
	v8 =	vor.u32 v8, v9  }
0x4c: {  	[tilespmem:s20+$0x200] =	vst v8;
	v9 =	vor.u32 $0x80, v8  }
0x4d: {  	v48 =	vor.u32 $0x100, v8;
	[tilespmem:s20+$0x280] =	vst v9  }
0x4e: {  	v49 =	vor.u32 $0x280, v8;
	[tilespmem:s20+$0x300] =	vst v48  }
0x4f: {  	s30 =	sor.u32 s17, s26;
	s29 =	spop (v2sf);
	v50 =	vor.u32 $0x300, v8;
	[tilespmem:s20+$0x480] =	vst v49  }
0x50: {  	s17 =	sor.u32 $0x380, s30;
	s19 =	sxor.u32 $0x80000000, s29;
	v51 =	vor.u32 $0x180, v8;
	v52 =	vadd.s32 $0x7A1400, v8;
	[tilespmem:s20+$0x500] =	vst v50  }
0x51: {  	v53 =	vor.u32 $0x200, v8;
	v54 =	vadd.s32 $0x7A1580, v8;
	v56 =	vadd.s32 $0x7A1600, v8;
	[tilespmem:s20+$0x380] =	vst v51  }
0x52: {  	v55 =	vor.u32 $0x380, v8;
	v57 =	vadd.s32 $0x7A1780, v8;
	vm9 =	vgt.s32 v52, $0xF423FF;
	[tilespmem:s20+$0x400] =	vst v53  }
0x53: {  	v58 =	vadd.s32 $0x7A1700, v8;
	vm10 =	vgt.s32 v54, $0xF423FF;
	v11 =	vsel vm9, $0x0, v52;
	[tilespmem:s17+$0x200] =	vst v55  }
0x54: {  	v60 =	vadd.s32 $0x7A1680, v8;
	vm1 =	vgt.s32 v56, $0xF423FF;
	v9 =	vsel vm10, $0x0, v54;
	[tilespmem:s20+$0x1200] =	vst v11  }
0x55: {  	v61 =	vadd.s32 $0x7A1500, v8;
	vm11 =	vgt.s32 v57, $0xF423FF;
	v12 =	vsel vm1, $0x0, v56;
	[tilespmem:s20+$0x1380] =	vst v9  }
0x56: {  	v8 =	vadd.s32 $0x7A1480, v8;
	p0 =	sgt.s32 s18, s19;
	vm13 =	vgt.s32 v60, $0xF423FF;
	v59 =	vsel vm11, $0x0, v57;
	[tilespmem:s20+$0x1400] =	vst v12;
	s31 =	spop (v2sf)  }
0x57: {  	vm14 =	vgt.s32 v61, $0xF423FF;
	s19 =	smov.u32 @p0 s18;
	v62 =	vsel vm13, $0x0, v60;
	[tilespmem:s20+$0x1580] =	vst v59;
	s17 =	sxor.u32 $0x80000000, s31  }
0x58: {  	vm15 =	vgt.s32 v8, $0xF423FF;
	v63 =	vsel vm14, $0x0, v61;
	[tilespmem:s20+$0x1480] =	vst v62;
	p0 =	sgt.s32 s19, s17  }
0x59: {  	vm12 =	vgt.s32 v58, $0xF423FF;
	v8 =	vsel vm15, $0x0, v8;
	[tilespmem:s20+$0x1300] =	vst v63;
	s17 =	smov.u32 @p0 s19  }
0x5a: {  	v11 =	vsel vm12, $0x0, v58;
	[tilespmem:s20+$0x1280] =	vst v8;
	p0 =	slt.s32 s17, $0xF4200  }
.Ltmp3:
0x5b: {  	[tilespmem:s20+$0x1500] =	vst v11;
	(pc) =	sbr.rel @p0 .LBB2_7-.Ltmp3, $4  }
0x5c: {  	[tilespmem:s11], [sflag:$0x1] =	stream.indirect.gather [hbm4b:s2+s9], $0x1, s10, s9, $0xb8;
	[tilespmem:$0xA600] =	vst v63  }
0x5d: {  	_ =	swait.ge [sflag:s12], $0x2000  }
0x5e: {  	[sflag:s12] =	ssyncset.done $0x0  }
0x5f: {  	[sflag:s12] =	ssyncadd.s32 $0xFFFFE000  }
0x60: {  	s17 =	simm.s32 $0x0  }
0x61: {  	[tilespmem:s13], [sflag:$0x2] =	stream.linear.gather [hbm4b:s5+s17], $0x400, $0x38;
	[tilespmem:$0xA600] =	vst v63  }
0x62: {  	_ =	swait.ge [sflag:s8], $0x400  }
0x63: {  	[sflag:s8] =	ssyncset.done $0x0  }
0x64: {  	[sflag:s8] =	ssyncadd.s32 $0xFFFFFC00  }
0x65: {  	v8 =	vld [tilespmem:s17+$0x0];
	_ =	sdelay $0x4  }
0x66: {  	vm1 =	vgt.s32 v8, $0xF4200  }
0x67: {  	vm0 =	vgt.s32 v8, $0xF41FF;
	v8 =	vnsel vm1, $0xF4200, v8  }
0x68: {  	v9 =	vadd.s32 $0xFFF0BE00, v8;
	_ =	sdelay $0x1  }
0x69: {  	s18 =	sand.u32 $0xC00, s17;
	s19 =	sand.u32 $0x70, s17  }
0x6a: {  	s18 =	sor.u32 s18, s19  }
0x6b: {  	s19 =	sor.u32 $0x1000, s18  }
0x6c: {  	v10 =	vor.u32 s19, v0;
	v9 =	vld.idx.msk [tilespmem:v9+s13+$0x0], vm0  }
0x6d: {  	v11 =	vadd.s32 $0xFFF0BE80, v8;
	_ =	sdelay $0x3  }
0x6e: {  	[tilespmem:v10+s11+$0x0] =	vst.idx.msk vm0, v9  }
0x6f: {  	v10 =	vor.u32 s19, v1;
	v9 =	vld.idx.msk [tilespmem:v11+s13+$0x0], vm0  }
0x70: {  	v11 =	vadd.s32 $0xFFF0BF00, v8;
	_ =	sdelay $0x3  }
0x71: {  	[tilespmem:v10+s11+$0x0] =	vst.idx.msk vm0, v9  }
0x72: {  	v10 =	vor.u32 s19, v2;
	v9 =	vld.idx.msk [tilespmem:v11+s13+$0x0], vm0  }
0x73: {  	v11 =	vadd.s32 $0xFFF0BF80, v8;
	_ =	sdelay $0x3  }
0x74: {  	[tilespmem:v10+s11+$0x0] =	vst.idx.msk vm0, v9  }
0x75: {  	v10 =	vor.u32 s19, v3;
	v9 =	vld.idx.msk [tilespmem:v11+s13+$0x0], vm0  }
0x76: {  	v11 =	vadd.s32 $0xFFF0C000, v8;
	_ =	sdelay $0x3  }
0x77: {  	[tilespmem:v10+s11+$0x0] =	vst.idx.msk vm0, v9  }
0x78: {  	v10 =	vor.u32 s19, v4;
	v9 =	vld.idx.msk [tilespmem:v11+s13+$0x0], vm0  }
0x79: {  	v11 =	vadd.s32 $0xFFF0C080, v8;
	_ =	sdelay $0x3  }
0x7a: {  	[tilespmem:v10+s11+$0x0] =	vst.idx.msk vm0, v9  }
0x7b: {  	v10 =	vor.u32 s19, v5;
	v9 =	vld.idx.msk [tilespmem:v11+s13+$0x0], vm0  }
0x7c: {  	v11 =	vadd.s32 $0xFFF0C100, v8;
	_ =	sdelay $0x3  }
0x7d: {  	[tilespmem:v10+s11+$0x0] =	vst.idx.msk vm0, v9  }
0x7e: {  	v10 =	vor.u32 s19, v6;
	v9 =	vld.idx.msk [tilespmem:v11+s13+$0x0], vm0  }
0x7f: {  	v8 =	vadd.s32 $0xFFF0C180, v8;
	_ =	sdelay $0x3  }
0x80: {  	[tilespmem:v10+s11+$0x0] =	vst.idx.msk vm0, v9  }
0x81: {  	v9 =	vor.u32 s19, v7;
	v8 =	vld.idx.msk [tilespmem:v8+s13+$0x0], vm0;
	_ =	sdelay $0x3  }
0x82: {  	s18 =	simm.s32 $0x80;
	s19 =	simm.s32 $0x0  }
.LBB2_5:
0x83: {  	p0 =	sne.s32 s18, $0xF80;
	[tilespmem:v9+s11+$0x0] =	vst.idx.msk vm0, v8;
	s17 =	sadd.s32 $0x10, s17;
	s19 =	sadd.s32 $0x10, s19  }
0x84: {  	s20 =	smov.u32 s18;
	s18 =	sadd.s32 $0x80, s18;
	v8 =	vld [tilespmem:s19+$0x0];
	_ =	sdelay $0x4  }
0x85: {  	vm1 =	vgt.s32 v8, $0xF4200  }
0x86: {  	vm0 =	vgt.s32 v8, $0xF41FF;
	v8 =	vnsel vm1, $0xF4200, v8  }
0x87: {  	v9 =	vadd.s32 $0xFFF0BE00, v8;
	_ =	sdelay $0x2  }
0x88: {  	s20 =	sand.u32 $0xC00, s20;
	s21 =	sand.u32 $0x70, s17  }
0x89: {  	s20 =	sor.u32 s20, s21  }
0x8a: {  	s20 =	sor.u32 $0x1000, s20;
	v9 =	vld.idx.msk [tilespmem:v9+s13+$0x0], vm0  }
0x8b: {  	v10 =	vor.u32 s20, v0  }
0x8c: {  	v11 =	vadd.s32 $0xFFF0BE80, v8;
	_ =	sdelay $0x3  }
0x8d: {  	[tilespmem:v10+s11+$0x0] =	vst.idx.msk vm0, v9  }
0x8e: {  	v9 =	vld.idx.msk [tilespmem:v11+s13+$0x0], vm0  }
0x8f: {  	v10 =	vor.u32 s20, v1  }
0x90: {  	v11 =	vadd.s32 $0xFFF0BF00, v8;
	_ =	sdelay $0x3  }
0x91: {  	[tilespmem:v10+s11+$0x0] =	vst.idx.msk vm0, v9  }
0x92: {  	v9 =	vld.idx.msk [tilespmem:v11+s13+$0x0], vm0  }
0x93: {  	v10 =	vor.u32 s20, v2  }
0x94: {  	v11 =	vadd.s32 $0xFFF0BF80, v8;
	_ =	sdelay $0x3  }
0x95: {  	[tilespmem:v10+s11+$0x0] =	vst.idx.msk vm0, v9  }
0x96: {  	v9 =	vld.idx.msk [tilespmem:v11+s13+$0x0], vm0  }
0x97: {  	v10 =	vor.u32 s20, v3  }
0x98: {  	v11 =	vadd.s32 $0xFFF0C000, v8;
	_ =	sdelay $0x3  }
0x99: {  	[tilespmem:v10+s11+$0x0] =	vst.idx.msk vm0, v9  }
0x9a: {  	v9 =	vld.idx.msk [tilespmem:v11+s13+$0x0], vm0  }
0x9b: {  	v10 =	vor.u32 s20, v4  }
0x9c: {  	v11 =	vadd.s32 $0xFFF0C080, v8;
	_ =	sdelay $0x3  }
0x9d: {  	[tilespmem:v10+s11+$0x0] =	vst.idx.msk vm0, v9  }
0x9e: {  	v9 =	vld.idx.msk [tilespmem:v11+s13+$0x0], vm0  }
0x9f: {  	v10 =	vor.u32 s20, v5  }
0xa0: {  	v11 =	vadd.s32 $0xFFF0C100, v8;
	_ =	sdelay $0x3  }
0xa1: {  	[tilespmem:v10+s11+$0x0] =	vst.idx.msk vm0, v9  }
0xa2: {  	v9 =	vld.idx.msk [tilespmem:v11+s13+$0x0], vm0  }
0xa3: {  	v10 =	vor.u32 s20, v6  }
0xa4: {  	v8 =	vadd.s32 $0xFFF0C180, v8;
	_ =	sdelay $0x1  }
.Ltmp4:
0xa5: {  	(pc) =	sbr.rel @p0 .LBB2_5-.Ltmp4, $4  }
0xa6: {  	_ = 	snop  }
0xa7: {  	[tilespmem:v10+s11+$0x0] =	vst.idx.msk vm0, v9  }
0xa8: {  	v8 =	vld.idx.msk [tilespmem:v8+s13+$0x0], vm0  }
0xa9: {  	v9 =	vor.u32 s20, v7  }
.Ltmp5:
0xaa: {  	_ = 	snop;
	(pc) =	sbr.rel .LBB2_6-.Ltmp5, $1  }
0xab: {  	_ =	sdelay $0x3  }
.LBB2_8:
0xac: {  	_ =	sfence.sel $0x180000  }
0xad: {  	[bflag:$0x0] =	sbarrier.arrive $0xFFFF  }
0xae: {  	p0 =	sne.s32 s1, $0x0;
	_ =	strace $0x90000047  }
0xaf: {  	s0 =	sadd.s32 @!p0 $0x100000, s0;
	[bflag:$0x2] =	sbarrier.arrive $0xFFFF  }
0xb0: {  	[sflag:s0] =	ssyncadd.tile.s32 @!p0 $0x1;
	_ =	shalt  }
.Lfunc_end2:
_tile_overlayer_lowered:
.L_overlay_start_2:
0xb1: {  	(tag) =	ssettag $0x2  }
0xb2: {  	s0 =	rddreg [dreg:$0x0];
	s2 =	stileid.u32  }
0xb3: {  	s1 =	rddreg [dreg:$0x1];
	p0 =	sne.s32 s2, $0x0  }
0xb4: {  	s3 =	rddreg [dreg:$0x2];
	[bflag:$0x3] =	sbarrier.arrive $0xFFFF;
	s2 =	simm.s32 @!p0 $0x1C02  }
0xb5: {  	[timem:s3], [sflag:s2] =	dma.local @!p0 [hbm:s0], s1  }
0xb6: {  	s0 =	simm.s32 @!p0 $0x2  }
0xb7: {  	_ =	swait.ge @!p0 [sflag:s0], s1  }
0xb8: {  	s1 =	ssub.s32 @!p0 $0x0, s1;
	[sflag:s0] =	ssyncset.done @!p0 $0x0  }
0xb9: {  	[sflag:s0] =	ssyncadd.s32 @!p0 s1  }
0xba: {  	[bflag:$0x3] =	sbarrier.arrive $0xFFFF  }
0xbb: {  	_ =	shalt  }

</sc_bundles>
